<compile_context>
chip_gen: v7x
topology: tpu7x:2x2x1
jax: 0.10.2.dev20260603
libtpu: 0.0.44.dev20260713+nightly
codegen_flags: <defaults>
</compile_context>

<pallas_src>
import functools

import jax
import jax.numpy as jnp
from jax import lax
from jax.experimental import pallas as pl
from jax.experimental.pallas import tpu as pltpu
from jax.experimental.pallas import tpu_sc as plsc

N = 10000
NP = 10240
G = 64
TRASH = G
NSLOT = G + 1
CLEN = NSLOT * NP

E = 320000
CH = 128
NWORK = 32
EW = 10112
EPAD = NWORK * EW
STAGE = EW + 2 * CH

_HIGH = jax.lax.Precision.HIGHEST


def _leaky(v):
    return jax.nn.leaky_relu(v, negative_slope=0.01)


def _stats_body(b_ref, nn_ref, inv_ref, sel_ref):
    bp = b_ref[...]
    gcol = lax.broadcasted_iota(jnp.int32, (G, 1), 0)
    eqg = bp == gcol
    counts = jnp.sum(eqg.astype(jnp.float32), axis=1, keepdims=True)
    nn_ref[...] = counts
    first_pos = jnp.sum((bp < gcol).astype(jnp.int32), axis=1, keepdims=True)
    tgt = jnp.where(counts > 0.0, first_pos, N - 1)
    ids = lax.broadcasted_iota(jnp.int32, (1, NP), 1)
    match = ids == tgt
    winner = jnp.max(jnp.where(match, gcol, -1), axis=0, keepdims=True)
    inv_ref[...] = jnp.where(winner >= 0, winner, TRASH)
    tgtf = tgt.astype(jnp.float32)
    eye = (lax.broadcasted_iota(jnp.int32, (G, G), 0)
           == lax.broadcasted_iota(jnp.int32, (G, G), 1)).astype(jnp.float32)
    tgt_row = lax.dot_general(tgtf, eye, (((0,), (0,)), ((), ())),
                              precision=_HIGH,
                              preferred_element_type=jnp.float32)
    mm = tgtf == tgt_row
    wio = lax.broadcasted_iota(jnp.int32, (1, G), 1)
    owner = jnp.max(jnp.where(mm, wio, -1), axis=1, keepdims=True)
    sel_ref[...] = (owner == wio).astype(jnp.float32)


_stats_call = pl.pallas_call(
    _stats_body,
    out_shape=(
        jax.ShapeDtypeStruct((G, 1), jnp.float32),
        jax.ShapeDtypeStruct((1, NP), jnp.int32),
        jax.ShapeDtypeStruct((G, G), jnp.float32),
    ),
)


def _dense_body(x_ref, we_ref, be_ref, wa1_ref, ba1_ref, wa2_ref, ba2_ref,
                emb_ref, att_ref):
    x = x_ref[...]
    emb_ref[...] = _leaky(
        lax.dot_general(x, we_ref[...], (((1,), (0,)), ((), ())),
                        precision=_HIGH, preferred_element_type=jnp.float32)
        + be_ref[...])
    a1 = _leaky(
        lax.dot_general(x, wa1_ref[...], (((1,), (0,)), ((), ())),
                        precision=_HIGH, preferred_element_type=jnp.float32)
        + ba1_ref[...])
    att_ref[...] = lax.dot_general(
        wa2_ref[...], a1, (((0,), (1,)), ((), ())),
        precision=_HIGH, preferred_element_type=jnp.float32) + ba2_ref[...]


_dense_call = pl.pallas_call(
    _dense_body,
    out_shape=(
        jax.ShapeDtypeStruct((NP, 128), jnp.float32),
        jax.ShapeDtypeStruct((1, NP), jnp.float32),
    ),
)


def _sc_counts_body(src_hbm, dst_hbm, inv_hbm, zero_hbm, out_hbm,
                    inv_v, src_v, dst_v, stage_v, idx_v, ones_v, csh):
    cid = lax.axis_index("c")
    sid = lax.axis_index("s")
    wid = sid * 2 + cid
    zch = CLEN // 16

    pltpu.sync_copy(zero_hbm.at[pl.ds(sid * zch, zch)],
                    csh.at[pl.ds(sid * zch, zch)])
    pltpu.sync_copy(inv_hbm, inv_v)
    base = wid * EW
    pltpu.sync_copy(src_hbm.at[pl.ds(base, EW)], src_v)
    pltpu.sync_copy(dst_hbm.at[pl.ds(base, EW)], dst_v)
    for i in range(CH // 16):
        ones_v[pl.ds(i * 16, 16)] = jnp.full((16,), 1.0, jnp.float32)
    trash16 = jnp.full((16,), TRASH * NP, jnp.int32)

    @pl.loop(0, STAGE // 16)
    def _fill(i):
        stage_v[pl.ds(i * 16, 16)] = trash16

    @pl.loop(0, EW // 16, init_carry=jnp.int32(0))
    def _scan(i, cur):
        sl = pl.ds(i * 16, 16)
        d16 = dst_v[sl]
        s16 = src_v[sl]
        slot16 = plsc.load_gather(inv_v, [d16])
        keep = slot16 < TRASH
        plsc.store_compressed(stage_v.at[pl.ds(cur, 16)],
                              slot16 * NP + s16, mask=keep)
        cnt = plsc.all_reduce_population_count(keep)
        return cur + jnp.max(cnt)

    cur = _scan
    nchunk = (cur + CH - 1) // CH
    plsc.subcore_barrier()

    @pl.loop(0, 16)
    def _turn(t):
        @pl.when(sid == t)
        def _my_turn():
            @pl.loop(0, nchunk)
            def _chunk(j):
                for i in range(CH // 16):
                    idx_v[0, pl.ds(i * 16, 16)] = (
                        stage_v[pl.ds(j * CH + i * 16, 16)])
                pltpu.sync_copy(ones_v, csh.at[idx_v.at[0]], add=True)

        plsc.subcore_barrier()

    pltpu.sync_copy(csh.at[pl.ds(sid * zch, zch)],
                    out_hbm.at[cid, pl.ds(sid * zch, zch)])


_sc_counts_call = pl.kernel(
    _sc_counts_body,
    out_type=jax.ShapeDtypeStruct((2, CLEN), jnp.float32),
    mesh=plsc.VectorSubcoreMesh(core_axis_name="c", subcore_axis_name="s"),
    compiler_params=pltpu.CompilerParams(needs_layout_passes=False),
    scratch_types=[
        pltpu.VMEM((NP,), jnp.int32),
        pltpu.VMEM((EW,), jnp.int32),
        pltpu.VMEM((EW,), jnp.int32),
        pltpu.VMEM((STAGE,), jnp.int32),
        pltpu.VMEM((1, CH), jnp.int32),
        pltpu.VMEM((CH,), jnp.float32),
        pltpu.VMEM_SHARED((CLEN,), jnp.float32),
    ],
)


def _finish_body(c0_ref, c1_ref, att_ref, emb_ref, sel_ref, wh_ref, bh_ref,
                 out_ref):
    cs = c0_ref[...] + c1_ref[...]
    att = att_ref[...]
    pos = cs > 0.0
    m = jnp.max(jnp.where(pos, att, -jnp.inf), axis=1, keepdims=True)
    p = jnp.where(pos, cs * jnp.exp(att - m), 0.0)
    denom = jnp.sum(p, axis=1, keepdims=True)
    numer = lax.dot_general(p, emb_ref[...], (((1,), (0,)), ((), ())),
                            precision=_HIGH,
                            preferred_element_type=jnp.float32)
    rows = jnp.where(denom > 0.0, numer / denom, 0.0)
    remap = lax.dot_general(sel_ref[...], rows, (((1,), (0,)), ((), ())),
                            precision=_HIGH,
                            preferred_element_type=jnp.float32)
    out_ref[...] = lax.dot_general(
        remap, wh_ref[...], (((1,), (0,)), ((), ())),
        precision=_HIGH, preferred_element_type=jnp.float32) + bh_ref[...]


_finish_call = pl.pallas_call(
    _finish_body,
    out_shape=jax.ShapeDtypeStruct((G, 128), jnp.float32),
)


@jax.jit
def kernel(x, edge_index, batch, W_emb, b_emb, W_a1, b_a1, W_a2, b_a2,
           W_head, b_head):
    f32 = jnp.float32
    bp = jnp.full((1, NP), G, jnp.int32).at[0, :N].set(batch)
    num_nodes, inv_row, sel = _stats_call(bp)

    xp = jnp.zeros((NP, x.shape[1]), f32).at[:N].set(x)
    emb, att_row = _dense_call(xp, W_emb, b_emb.reshape(1, -1),
                               W_a1, b_a1.reshape(1, -1),
                               W_a2, b_a2.reshape(1, 1))

    src = edge_index[0]
    dst = edge_index[1]
    srcp = jnp.concatenate([src, jnp.zeros((EPAD - E,), src.dtype)])
    dstp = jnp.concatenate([dst, jnp.full((EPAD - E,), NP - 1, dst.dtype)])
    zero_c = jnp.zeros((CLEN,), f32)
    cparts = _sc_counts_call(srcp, dstp, inv_row.reshape(NP), zero_c)
    cparts = cparts.reshape(2, NSLOT, NP)

    out = _finish_call(cparts[0, :G], cparts[1, :G], att_row, emb, sel,
                       W_head, b_head.reshape(1, -1))
    return (out, num_nodes)

# --- scband reference (transcript-rebuilt; emitter-appended) ---
"""Pipeline reference for scband-geatnet-72086731096486 (READ-ONLY COPY).

The authoritative reference and input builder live on the scoring server;
editing this copy changes nothing except your own understanding.
"""

import jax, jax.numpy as jnp
import numpy as np

N = 10000      # nodes
E = 320000     # edges
IN = 128       # in_channels
H = 128        # hidden_size
OUT = 128      # out_channels
G = 64         # num_graphs


def setup_inputs(seed: int = 0) -> dict:
    key = jax.random.key(seed)
    ks = jax.random.split(key, 12)
    x = jax.random.normal(ks[0], (N, IN), dtype=jnp.float32)
    edge_index = jax.random.randint(ks[1], (2, E), 0, N)
    batch = jnp.sort(jax.random.randint(ks[2], (N,), 0, G))
    # embeddings MLP: Linear(IN, H) + LeakyReLU (embedding_layer_num=1, last_activation=activation)
    W_emb = jax.random.normal(ks[3], (IN, H), dtype=jnp.float32) * 0.05
    b_emb = jnp.zeros((H,), dtype=jnp.float32)
    # attentions: Linear(IN, H) + LeakyReLU + Linear(H, 1)
    W_a1 = jax.random.normal(ks[4], (IN, H), dtype=jnp.float32) * 0.05
    b_a1 = jnp.zeros((H,), dtype=jnp.float32)
    W_a2 = jax.random.normal(ks[5], (H, 1), dtype=jnp.float32) * 0.05
    b_a2 = jnp.zeros((1,), dtype=jnp.float32)
    # heads: single Linear(H, OUT), last_activation = Identity
    W_head = jax.random.normal(ks[6], (H, OUT), dtype=jnp.float32) * 0.05
    b_head = jnp.zeros((OUT,), dtype=jnp.float32)
    return {
        "x": x, "edge_index": edge_index, "batch": batch,
        "W_emb": W_emb, "b_emb": b_emb,
        "W_a1": W_a1, "b_a1": b_a1, "W_a2": W_a2, "b_a2": b_a2,
        "W_head": W_head, "b_head": b_head,
    }


def _leaky(v):
    return jax.nn.leaky_relu(v, negative_slope=0.01)


def reference(x, edge_index, batch, W_emb, b_emb, W_a1, b_a1, W_a2, b_a2, W_head, b_head):
    # num_nodes per graph: scatter_('add', ones, batch)
    num_nodes = jax.ops.segment_sum(jnp.ones((N,), dtype=x.dtype), batch, num_segments=G)

    # MyEdgeAttConv: per-node embedding + per-source attention score,
    # softmax over incoming edges of each dst, weighted aggregation, Identity update.
    emb = _leaky(x @ W_emb + b_emb)                    # [N, H]
    att = _leaky(x @ W_a1 + b_a1) @ W_a2 + b_a2        # [N, 1]

    src = edge_index[0]
    dst = edge_index[1]
    e = att[src][:, 0]                                  # [E]
    m = jax.ops.segment_max(e, dst, num_segments=N)     # [N]
    ex = jnp.exp(e - m[dst])                            # [E]
    denom = jax.ops.segment_sum(ex, dst, num_segments=N)
    alpha = ex / denom[dst]                             # [E]
    out_nodes = jax.ops.segment_sum(alpha[:, None] * emb[src], dst, num_segments=N)  # [N, H]

    # readout 'first': take the first node of each graph
    first_idx = jax.ops.segment_min(jnp.arange(N), batch, num_segments=G)
    first_idx = jnp.clip(first_idx, 0, N - 1)
    g = out_nodes[first_idx]                            # [G, H]

    # heads
    out = g @ W_head + b_head                           # [G, OUT]
    return (out, num_nodes.reshape(-1, 1))

if __name__ == "__main__":
    import jax
    _d = setup_inputs()
    print(jax.jit(kernel)(*tuple(_d.values())))

</pallas_src>

<mosaic_0001>
#map = affine_map<(d0, d1) -> (0)>
#map1 = affine_map<(d0, d1) -> (0, 0)>
module attributes {stable_mosaic.version = 14 : i64} {
  func.func @_sc_counts_body(%arg0: i32, %arg1: i32, %arg2: memref<323584xi32, #tpu.memory_space<hbm>>, %arg3: memref<323584xi32, #tpu.memory_space<hbm>>, %arg4: memref<10240xi32, #tpu.memory_space<hbm>>, %arg5: memref<665600xf32, #tpu.memory_space<hbm>>, %arg6: memref<2x665600xf32, #tpu.memory_space<hbm>>, %arg7: memref<10240xi32, #tpu.memory_space<vmem>>, %arg8: memref<10112xi32, #tpu.memory_space<vmem>>, %arg9: memref<10112xi32, #tpu.memory_space<vmem>>, %arg10: memref<10368xi32, #tpu.memory_space<vmem>>, %arg11: memref<1x128xi32, #tpu.memory_space<vmem>>, %arg12: memref<128xf32, #tpu.memory_space<vmem>>, %arg13: memref<665600xf32, #tpu.memory_space<vmem_shared>>) attributes {dimension_semantics = [#tpu.dimension_semantics<core_parallel>, #tpu.dimension_semantics<subcore_parallel>], iteration_bounds = array<i64: 2, 16>, scalar_prefetch = 0 : i64, scratch_operands = 7 : i64, tpu.core_type = #tpu.core_type<sc_vector_subcore>, window_params = [{transform_indices = #map}, {transform_indices = #map}, {transform_indices = #map}, {transform_indices = #map}, {transform_indices = #map1}]} {
    %mul3A = arith.constant 2 : i32
    %mul3A_0 = arith.muli %arg1, %mul3A : i32
    %add3A = arith.addi %mul3A_0, %arg0 : i32
    %mul3A_1 = arith.constant 41600 : i32
    %mul3A_2 = arith.muli %arg1, %mul3A_1 : i32
    %mul3A_3 = arith.constant 41600 : i32
    %mul3A_4 = arith.muli %arg1, %mul3A_3 : i32
    "tpu.region"() ({
      %run_scoped3A = tpu.sem_alloc : memref<!tpu.dma_semaphore, #tpu.memory_space<semaphore_mem>>
      %dma_start3A = tpu.memref_slice %arg13[%mul3A_4] : memref<665600xf32, #tpu.memory_space<vmem_shared>> -> memref<41600xf32, #tpu.memory_space<vmem_shared>>
      %dma_start3A_79 = tpu.memref_slice %arg5[%mul3A_2] : memref<665600xf32, #tpu.memory_space<hbm>> -> memref<41600xf32, #tpu.memory_space<hbm>>
      tpu.enqueue_dma source(%dma_start3A_79 : memref<41600xf32, #tpu.memory_space<hbm>>) target(%dma_start3A : memref<41600xf32, #tpu.memory_space<vmem_shared>>) target_semaphore(%run_scoped3A : memref<!tpu.dma_semaphore, #tpu.memory_space<semaphore_mem>>)
      %dma_wait3A = tpu.memref_slice %arg13[%mul3A_4] : memref<665600xf32, #tpu.memory_space<vmem_shared>> -> memref<41600xf32, #tpu.memory_space<vmem_shared>>
      %dma_wait3A_80 = tpu.memref_slice %arg5[%mul3A_2] : memref<665600xf32, #tpu.memory_space<hbm>> -> memref<41600xf32, #tpu.memory_space<hbm>>
      tpu.wait_dma2 semaphore(%run_scoped3A : memref<!tpu.dma_semaphore, #tpu.memory_space<semaphore_mem>>) src(%dma_wait3A_80 : memref<41600xf32, #tpu.memory_space<hbm>>) dst(%dma_wait3A : memref<41600xf32, #tpu.memory_space<vmem_shared>>)
      tpu.yield
    }) : () -> ()
    "tpu.region"() ({
      %run_scoped3A = tpu.sem_alloc : memref<!tpu.dma_semaphore, #tpu.memory_space<semaphore_mem>>
      tpu.enqueue_dma source(%arg4 : memref<10240xi32, #tpu.memory_space<hbm>>) target(%arg7 : memref<10240xi32, #tpu.memory_space<vmem>>) target_semaphore(%run_scoped3A : memref<!tpu.dma_semaphore, #tpu.memory_space<semaphore_mem>>)
      tpu.wait_dma2 semaphore(%run_scoped3A : memref<!tpu.dma_semaphore, #tpu.memory_space<semaphore_mem>>) src(%arg4 : memref<10240xi32, #tpu.memory_space<hbm>>) dst(%arg7 : memref<10240xi32, #tpu.memory_space<vmem>>)
      tpu.yield
    }) : () -> ()
    %mul3A_5 = arith.constant 10112 : i32
    %mul3A_6 = arith.muli %add3A, %mul3A_5 : i32
    "tpu.region"() ({
      %run_scoped3A = tpu.sem_alloc : memref<!tpu.dma_semaphore, #tpu.memory_space<semaphore_mem>>
      %dma_start3A = tpu.memref_slice %arg2[%mul3A_6] : memref<323584xi32, #tpu.memory_space<hbm>> -> memref<10112xi32, #tpu.memory_space<hbm>>
      %dma_start3A_79 = tpu.memref_slice %arg2[%mul3A_6] : memref<323584xi32, #tpu.memory_space<hbm>> -> memref<10112xi32, #tpu.memory_space<hbm>>
      tpu.enqueue_dma source(%dma_start3A_79 : memref<10112xi32, #tpu.memory_space<hbm>>) target(%arg8 : memref<10112xi32, #tpu.memory_space<vmem>>) target_semaphore(%run_scoped3A : memref<!tpu.dma_semaphore, #tpu.memory_space<semaphore_mem>>)
      %dma_wait3A = tpu.memref_slice %arg2[%mul3A_6] : memref<323584xi32, #tpu.memory_space<hbm>> -> memref<10112xi32, #tpu.memory_space<hbm>>
      %dma_wait3A_80 = tpu.memref_slice %arg2[%mul3A_6] : memref<323584xi32, #tpu.memory_space<hbm>> -> memref<10112xi32, #tpu.memory_space<hbm>>
      tpu.wait_dma2 semaphore(%run_scoped3A : memref<!tpu.dma_semaphore, #tpu.memory_space<semaphore_mem>>) src(%dma_wait3A_80 : memref<10112xi32, #tpu.memory_space<hbm>>) dst(%arg8 : memref<10112xi32, #tpu.memory_space<vmem>>)
      tpu.yield
    }) : () -> ()
    "tpu.region"() ({
      %run_scoped3A = tpu.sem_alloc : memref<!tpu.dma_semaphore, #tpu.memory_space<semaphore_mem>>
      %dma_start3A = tpu.memref_slice %arg3[%mul3A_6] : memref<323584xi32, #tpu.memory_space<hbm>> -> memref<10112xi32, #tpu.memory_space<hbm>>
      %dma_start3A_79 = tpu.memref_slice %arg3[%mul3A_6] : memref<323584xi32, #tpu.memory_space<hbm>> -> memref<10112xi32, #tpu.memory_space<hbm>>
      tpu.enqueue_dma source(%dma_start3A_79 : memref<10112xi32, #tpu.memory_space<hbm>>) target(%arg9 : memref<10112xi32, #tpu.memory_space<vmem>>) target_semaphore(%run_scoped3A : memref<!tpu.dma_semaphore, #tpu.memory_space<semaphore_mem>>)
      %dma_wait3A = tpu.memref_slice %arg3[%mul3A_6] : memref<323584xi32, #tpu.memory_space<hbm>> -> memref<10112xi32, #tpu.memory_space<hbm>>
      %dma_wait3A_80 = tpu.memref_slice %arg3[%mul3A_6] : memref<323584xi32, #tpu.memory_space<hbm>> -> memref<10112xi32, #tpu.memory_space<hbm>>
      tpu.wait_dma2 semaphore(%run_scoped3A : memref<!tpu.dma_semaphore, #tpu.memory_space<semaphore_mem>>) src(%dma_wait3A_80 : memref<10112xi32, #tpu.memory_space<hbm>>) dst(%arg9 : memref<10112xi32, #tpu.memory_space<vmem>>)
      tpu.yield
    }) : () -> ()
    %broadcast_in_dim3A = arith.constant 1.000000e+00 : f32
    %broadcast_in_dim3A_7 = vector.broadcast %broadcast_in_dim3A : f32 to vector<16xf32>
    %swap3A = arith.constant 0 : index
    %swap3A_8 = tpu.vector_load %arg12[%swap3A] {strides = array<i32>} : memref<128xf32, #tpu.memory_space<vmem>>, vector<16xf32>,
    tpu.vector_store %arg12[%swap3A], %broadcast_in_dim3A_7 {strides = array<i32>} : memref<128xf32, #tpu.memory_space<vmem>>, vector<16xf32>,
    %broadcast_in_dim3A_9 = arith.constant 1.000000e+00 : f32
    %broadcast_in_dim3A_10 = vector.broadcast %broadcast_in_dim3A_9 : f32 to vector<16xf32>
    %swap3A_11 = arith.constant 16 : index
    %swap3A_12 = tpu.vector_load %arg12[%swap3A_11] {strides = array<i32>} : memref<128xf32, #tpu.memory_space<vmem>>, vector<16xf32>,
    tpu.vector_store %arg12[%swap3A_11], %broadcast_in_dim3A_10 {strides = array<i32>} : memref<128xf32, #tpu.memory_space<vmem>>, vector<16xf32>,
    %broadcast_in_dim3A_13 = arith.constant 1.000000e+00 : f32
    %broadcast_in_dim3A_14 = vector.broadcast %broadcast_in_dim3A_13 : f32 to vector<16xf32>
    %swap3A_15 = arith.constant 32 : index
    %swap3A_16 = tpu.vector_load %arg12[%swap3A_15] {strides = array<i32>} : memref<128xf32, #tpu.memory_space<vmem>>, vector<16xf32>,
    tpu.vector_store %arg12[%swap3A_15], %broadcast_in_dim3A_14 {strides = array<i32>} : memref<128xf32, #tpu.memory_space<vmem>>, vector<16xf32>,
    %broadcast_in_dim3A_17 = arith.constant 1.000000e+00 : f32
    %broadcast_in_dim3A_18 = vector.broadcast %broadcast_in_dim3A_17 : f32 to vector<16xf32>
    %swap3A_19 = arith.constant 48 : index
    %swap3A_20 = tpu.vector_load %arg12[%swap3A_19] {strides = array<i32>} : memref<128xf32, #tpu.memory_space<vmem>>, vector<16xf32>,
    tpu.vector_store %arg12[%swap3A_19], %broadcast_in_dim3A_18 {strides = array<i32>} : memref<128xf32, #tpu.memory_space<vmem>>, vector<16xf32>,
    %broadcast_in_dim3A_21 = arith.constant 1.000000e+00 : f32
    %broadcast_in_dim3A_22 = vector.broadcast %broadcast_in_dim3A_21 : f32 to vector<16xf32>
    %swap3A_23 = arith.constant 64 : index
    %swap3A_24 = tpu.vector_load %arg12[%swap3A_23] {strides = array<i32>} : memref<128xf32, #tpu.memory_space<vmem>>, vector<16xf32>,
    tpu.vector_store %arg12[%swap3A_23], %broadcast_in_dim3A_22 {strides = array<i32>} : memref<128xf32, #tpu.memory_space<vmem>>, vector<16xf32>,
    %broadcast_in_dim3A_25 = arith.constant 1.000000e+00 : f32
    %broadcast_in_dim3A_26 = vector.broadcast %broadcast_in_dim3A_25 : f32 to vector<16xf32>
    %swap3A_27 = arith.constant 80 : index
    %swap3A_28 = tpu.vector_load %arg12[%swap3A_27] {strides = array<i32>} : memref<128xf32, #tpu.memory_space<vmem>>, vector<16xf32>,
    tpu.vector_store %arg12[%swap3A_27], %broadcast_in_dim3A_26 {strides = array<i32>} : memref<128xf32, #tpu.memory_space<vmem>>, vector<16xf32>,
    %broadcast_in_dim3A_29 = arith.constant 1.000000e+00 : f32
    %broadcast_in_dim3A_30 = vector.broadcast %broadcast_in_dim3A_29 : f32 to vector<16xf32>
    %swap3A_31 = arith.constant 96 : index
    %swap3A_32 = tpu.vector_load %arg12[%swap3A_31] {strides = array<i32>} : memref<128xf32, #tpu.memory_space<vmem>>, vector<16xf32>,
    tpu.vector_store %arg12[%swap3A_31], %broadcast_in_dim3A_30 {strides = array<i32>} : memref<128xf32, #tpu.memory_space<vmem>>, vector<16xf32>,
    %broadcast_in_dim3A_33 = arith.constant 1.000000e+00 : f32
    %broadcast_in_dim3A_34 = vector.broadcast %broadcast_in_dim3A_33 : f32 to vector<16xf32>
    %swap3A_35 = arith.constant 112 : index
    %swap3A_36 = tpu.vector_load %arg12[%swap3A_35] {strides = array<i32>} : memref<128xf32, #tpu.memory_space<vmem>>, vector<16xf32>,
    tpu.vector_store %arg12[%swap3A_35], %broadcast_in_dim3A_34 {strides = array<i32>} : memref<128xf32, #tpu.memory_space<vmem>>, vector<16xf32>,
    %broadcast_in_dim3A_37 = arith.constant 655360 : i32
    %broadcast_in_dim3A_38 = vector.broadcast %broadcast_in_dim3A_37 : i32 to vector<16xi32>
    %scan3A = arith.constant 0 : i32
    %scan3A_39 = arith.constant 648 : i32
    %scan3A_40 = arith.addi %scan3A, %scan3A_39 : i32
    %scan3A_41 = arith.constant 1 : i32
    scf.for %scan3A_79 = %scan3A to %scan3A_40 step %scan3A_41  : i32 {
      %mul3A_80 = arith.constant 1 : i32
      %mul3A_81 = arith.muli %scan3A_79, %mul3A_80 : i32
      %add3A_82 = arith.constant 0 : i32
      %add3A_83 = arith.addi %add3A_82, %mul3A_81 : i32
      %mul3A_84 = arith.constant 16 : i32
      %mul3A_85 = arith.muli %add3A_83, %mul3A_84 : i32
      %swap3A_86 = arith.index_cast %mul3A_85 : i32 to index
      %swap3A_87 = tpu.vector_load %arg10[%swap3A_86] {strides = array<i32>} : memref<10368xi32, #tpu.memory_space<vmem>>, vector<16xi32>,
      tpu.vector_store %arg10[%swap3A_86], %broadcast_in_dim3A_38 {strides = array<i32>} : memref<10368xi32, #tpu.memory_space<vmem>>, vector<16xi32>,
    }
    %scan3A_42 = arith.constant 648 : i32
    %scan3A_43 = arith.constant 0 : i32
    %scan3A_44 = arith.constant 0 : i32
    %scan3A_45 = arith.constant 632 : i32
    %scan3A_46 = arith.addi %scan3A_44, %scan3A_45 : i32
    %scan3A_47 = arith.constant 1 : i32
    %scan3A_48 = scf.for %scan3A_79 = %scan3A_44 to %scan3A_46 step %scan3A_47 iter_args(%scan3A_80 = %scan3A_43) -> (i32)  : i32 {
      %mul3A_81 = arith.constant 1 : i32
      %mul3A_82 = arith.muli %scan3A_79, %mul3A_81 : i32
      %add3A_83 = arith.constant 0 : i32
      %add3A_84 = arith.addi %add3A_83, %mul3A_82 : i32
      %mul3A_85 = arith.constant 16 : i32
      %mul3A_86 = arith.muli %add3A_84, %mul3A_85 : i32
      %get3A = arith.index_cast %mul3A_86 : i32 to index
      %get3A_87 = tpu.vector_load %arg9[%get3A] {strides = array<i32>} : memref<10112xi32, #tpu.memory_space<vmem>>, vector<16xi32>,
      %get3A_88 = arith.index_cast %mul3A_86 : i32 to index
      %get3A_89 = tpu.vector_load %arg8[%get3A_88] {strides = array<i32>} : memref<10112xi32, #tpu.memory_space<vmem>>, vector<16xi32>,
      %gather3A = tpu.vector_load_idx %arg7[%get3A_87] : memref<10240xi32, #tpu.memory_space<vmem>>[vector<16xi32>], vector<16xi32>,
      %lt3A = arith.constant 64 : i32
      %lt3A_90 = vector.broadcast %lt3A : i32 to vector<16xi32>
      %lt3A_91 = arith.cmpi slt, %gather3A, %lt3A_90 : vector<16xi32>
      %mul3A_92 = arith.constant 10240 : i32
      %mul3A_93 = vector.broadcast %mul3A_92 : i32 to vector<16xi32>
      %mul3A_94 = arith.muli %gather3A, %mul3A_93 : vector<16xi32>
      %add3A_95 = arith.addi %mul3A_94, %get3A_89 : vector<16xi32>
      %swap3A_96 = arith.index_cast %scan3A_80 : i32 to index
      %swap3A_97 = tpu.vector_load %arg10[%swap3A_96] masked %lt3A_91 {strides = array<i32>} : memref<10368xi32, #tpu.memory_space<vmem>>, vector<16xi32>, vector<16xi1>
      tpu.vector_store %arg10[%swap3A_96], %add3A_95 masked %lt3A_91 {strides = array<i32>} : memref<10368xi32, #tpu.memory_space<vmem>>, vector<16xi32>, vector<16xi1>
      %all_reduce_population_count3A = tpu.all_reduce %lt3A_91 {dim = 0 : i64, kind = #tpu.reduction_kind<sum>} : vector<16xi1> -> vector<16xi32>
      %reduce_max3A = arith.constant true
      %reduce_max3A_98 = vector.broadcast %reduce_max3A : i1 to vector<16xi1>
      %reduce_max3A_99 = arith.constant -2147483648 : i32
      %reduce_max3A_100 = vector.broadcast %reduce_max3A_99 : i32 to vector<16xi32>
      %reduce_max3A_101 = arith.xori %all_reduce_population_count3A, %reduce_max3A_100 : vector<16xi32>
      %reduce_max3A_102 = tpu.scan <max>, %reduce_max3A_101 masked %reduce_max3A_98 : vector<16xi32>, vector<16xi1> -> vector<16xi32>
      %reduce_max3A_103 = arith.xori %reduce_max3A_102, %reduce_max3A_100 : vector<16xi32>
      %reduce_max3A_104 = vector.extract %reduce_max3A_103[15] : i32 from vector<16xi32>
      %add3A_105 = arith.addi %scan3A_80, %reduce_max3A_104 : i32
      scf.yield %add3A_105 : i32
    }
    %scan3A_49 = arith.constant 632 : i32
    %add3A_50 = arith.constant 128 : i32
    %add3A_51 = arith.addi %scan3A_48, %add3A_50 : i32
    %sub3A = arith.constant 1 : i32
    %sub3A_52 = arith.subi %add3A_51, %sub3A : i32
    %jit3A = arith.constant 128 : i32
    %div3A = arith.divsi %sub3A_52, %jit3A : i32
    %sign3A = arith.constant 0 : i32
    %sign3A_53 = arith.cmpi sgt, %sub3A_52, %sign3A : i32
    %sign3A_54 = arith.extui %sign3A_53 : i1 to i32
    %sign3A_55 = arith.constant 0 : i32
    %sign3A_56 = arith.cmpi slt, %sub3A_52, %sign3A_55 : i32
    %sign3A_57 = arith.extui %sign3A_56 : i1 to i32
    %sign3A_58 = arith.subi %sign3A_54, %sign3A_57 : i32
    %sign3A_59 = arith.constant 0 : i32
    %sign3A_60 = arith.cmpi sgt, %jit3A, %sign3A_59 : i32
    %sign3A_61 = arith.extui %sign3A_60 : i1 to i32
    %sign3A_62 = arith.constant 0 : i32
    %sign3A_63 = arith.cmpi slt, %jit3A, %sign3A_62 : i32
    %sign3A_64 = arith.extui %sign3A_63 : i1 to i32
    %sign3A_65 = arith.subi %sign3A_61, %sign3A_64 : i32
    %ne3A = arith.cmpi ne, %sign3A_58, %sign3A_65 : i32
    %rem3A = arith.remsi %sub3A_52, %jit3A : i32
    %ne3A_66 = arith.constant 0 : i32
    %ne3A_67 = arith.cmpi ne, %rem3A, %ne3A_66 : i32
    %and3A = arith.andi %ne3A, %ne3A_67 : i1
    %sub3A_68 = arith.constant 1 : i32
    %sub3A_69 = arith.subi %div3A, %sub3A_68 : i32
    %select_n3A = arith.select %and3A, %sub3A_69, %div3A : i32
    %barrier3A = arith.constant 0 : index
    tpu.barrier barrier_id(%barrier3A)
    %scan3A_70 = arith.constant 0 : i32
    %scan3A_71 = arith.constant 16 : i32
    %scan3A_72 = arith.addi %scan3A_70, %scan3A_71 : i32
    %scan3A_73 = arith.constant 1 : i32
    scf.for %scan3A_79 = %scan3A_70 to %scan3A_72 step %scan3A_73  : i32 {
      %mul3A_80 = arith.constant 1 : i32
      %mul3A_81 = arith.muli %scan3A_79, %mul3A_80 : i32
      %add3A_82 = arith.constant 0 : i32
      %add3A_83 = arith.addi %add3A_82, %mul3A_81 : i32
      %eq3A = arith.cmpi eq, %arg1, %add3A_83 : i32
      %convert_element_type3A = arith.extui %eq3A : i1 to i32
      %cond3A = arith.constant 0 : i32
      %cond3A_84 = arith.cmpi ne, %convert_element_type3A, %cond3A : i32
      scf.if %cond3A_84 {
        %sub3A_86 = arith.constant 0 : i32
        %sub3A_87 = arith.subi %select_n3A, %sub3A_86 : i32
        %sub3A_88 = arith.constant 1 : i32
        %sub3A_89 = arith.constant 1 : i32
        %sub3A_90 = arith.subi %sub3A_88, %sub3A_89 : i32
        %add3A_91 = arith.addi %sub3A_87, %sub3A_90 : i32
        %div3A_92 = arith.constant 1 : i32
        %div3A_93 = arith.divsi %add3A_91, %div3A_92 : i32
        %while3A = arith.constant 1 : i32
        %while3A_94 = arith.constant 0 : i32
        %while3A_95 = arith.constant 0 : i32
        %while3A_96 = arith.subi %div3A_93, %while3A_95 : i32
        %while3A_97 = arith.addi %while3A_95, %while3A_96 : i32
        %while3A_98 = arith.constant 1 : i32
        %while3A_99 = arith.divsi %while3A_96, %while3A_98 : i32
        %while3A_100 = arith.muli %while3A_99, %while3A_98 : i32
        %while3A_101 = arith.addi %while3A_95, %while3A_100 : i32
        %while3A_102 = arith.constant 1 : i32
        scf.for %while3A_104 = %while3A_95 to %while3A_101 step %while3A_102  : i32 {
          %mul3A_105 = arith.muli %while3A_104, %while3A : i32
          %add3A_106 = arith.addi %while3A_94, %mul3A_105 : i32
          %mul3A_107 = arith.constant 128 : i32
          %mul3A_108 = arith.muli %add3A_106, %mul3A_107 : i32
          %add3A_109 = arith.constant 0 : i32
          %add3A_110 = arith.addi %mul3A_108, %add3A_109 : i32
          %get3A = arith.index_cast %add3A_110 : i32 to index
          %get3A_111 = tpu.vector_load %arg10[%get3A] {strides = array<i32>} : memref<10368xi32, #tpu.memory_space<vmem>>, vector<16xi32>,
          %swap3A_112 = arith.constant 0 : i32
          %swap3A_113 = arith.index_cast %swap3A_112 : i32 to index
          %swap3A_114 = arith.constant 0 : index
          %swap3A_115 = tpu.vector_load %arg11[%swap3A_113, %swap3A_114] {strides = array<i32>} : memref<1x128xi32, #tpu.memory_space<vmem>>, vector<16xi32>,
          tpu.vector_store %arg11[%swap3A_113, %swap3A_114], %get3A_111 {strides = array<i32>} : memref<1x128xi32, #tpu.memory_space<vmem>>, vector<16xi32>,
          %mul3A_116 = arith.constant 128 : i32
          %mul3A_117 = arith.muli %add3A_106, %mul3A_116 : i32
          %add3A_118 = arith.constant 16 : i32
          %add3A_119 = arith.addi %mul3A_117, %add3A_118 : i32
          %get3A_120 = arith.index_cast %add3A_119 : i32 to index
          %get3A_121 = tpu.vector_load %arg10[%get3A_120] {strides = array<i32>} : memref<10368xi32, #tpu.memory_space<vmem>>, vector<16xi32>,
          %swap3A_122 = arith.constant 0 : i32
          %swap3A_123 = arith.index_cast %swap3A_122 : i32 to index
          %swap3A_124 = arith.constant 16 : index
          %swap3A_125 = tpu.vector_load %arg11[%swap3A_123, %swap3A_124] {strides = array<i32>} : memref<1x128xi32, #tpu.memory_space<vmem>>, vector<16xi32>,
          tpu.vector_store %arg11[%swap3A_123, %swap3A_124], %get3A_121 {strides = array<i32>} : memref<1x128xi32, #tpu.memory_space<vmem>>, vector<16xi32>,
          %mul3A_126 = arith.constant 128 : i32
          %mul3A_127 = arith.muli %add3A_106, %mul3A_126 : i32
          %add3A_128 = arith.constant 32 : i32
          %add3A_129 = arith.addi %mul3A_127, %add3A_128 : i32
          %get3A_130 = arith.index_cast %add3A_129 : i32 to index
          %get3A_131 = tpu.vector_load %arg10[%get3A_130] {strides = array<i32>} : memref<10368xi32, #tpu.memory_space<vmem>>, vector<16xi32>,
          %swap3A_132 = arith.constant 0 : i32
          %swap3A_133 = arith.index_cast %swap3A_132 : i32 to index
          %swap3A_134 = arith.constant 32 : index
          %swap3A_135 = tpu.vector_load %arg11[%swap3A_133, %swap3A_134] {strides = array<i32>} : memref<1x128xi32, #tpu.memory_space<vmem>>, vector<16xi32>,
          tpu.vector_store %arg11[%swap3A_133, %swap3A_134], %get3A_131 {strides = array<i32>} : memref<1x128xi32, #tpu.memory_space<vmem>>, vector<16xi32>,
          %mul3A_136 = arith.constant 128 : i32
          %mul3A_137 = arith.muli %add3A_106, %mul3A_136 : i32
          %add3A_138 = arith.constant 48 : i32
          %add3A_139 = arith.addi %mul3A_137, %add3A_138 : i32
          %get3A_140 = arith.index_cast %add3A_139 : i32 to index
          %get3A_141 = tpu.vector_load %arg10[%get3A_140] {strides = array<i32>} : memref<10368xi32, #tpu.memory_space<vmem>>, vector<16xi32>,
          %swap3A_142 = arith.constant 0 : i32
          %swap3A_143 = arith.index_cast %swap3A_142 : i32 to index
          %swap3A_144 = arith.constant 48 : index
          %swap3A_145 = tpu.vector_load %arg11[%swap3A_143, %swap3A_144] {strides = array<i32>} : memref<1x128xi32, #tpu.memory_space<vmem>>, vector<16xi32>,
          tpu.vector_store %arg11[%swap3A_143, %swap3A_144], %get3A_141 {strides = array<i32>} : memref<1x128xi32, #tpu.memory_space<vmem>>, vector<16xi32>,
          %mul3A_146 = arith.constant 128 : i32
          %mul3A_147 = arith.muli %add3A_106, %mul3A_146 : i32
          %add3A_148 = arith.constant 64 : i32
          %add3A_149 = arith.addi %mul3A_147, %add3A_148 : i32
          %get3A_150 = arith.index_cast %add3A_149 : i32 to index
          %get3A_151 = tpu.vector_load %arg10[%get3A_150] {strides = array<i32>} : memref<10368xi32, #tpu.memory_space<vmem>>, vector<16xi32>,
          %swap3A_152 = arith.constant 0 : i32
          %swap3A_153 = arith.index_cast %swap3A_152 : i32 to index
          %swap3A_154 = arith.constant 64 : index
          %swap3A_155 = tpu.vector_load %arg11[%swap3A_153, %swap3A_154] {strides = array<i32>} : memref<1x128xi32, #tpu.memory_space<vmem>>, vector<16xi32>,
          tpu.vector_store %arg11[%swap3A_153, %swap3A_154], %get3A_151 {strides = array<i32>} : memref<1x128xi32, #tpu.memory_space<vmem>>, vector<16xi32>,
          %mul3A_156 = arith.constant 128 : i32
          %mul3A_157 = arith.muli %add3A_106, %mul3A_156 : i32
          %add3A_158 = arith.constant 80 : i32
          %add3A_159 = arith.addi %mul3A_157, %add3A_158 : i32
          %get3A_160 = arith.index_cast %add3A_159 : i32 to index
          %get3A_161 = tpu.vector_load %arg10[%get3A_160] {strides = array<i32>} : memref<10368xi32, #tpu.memory_space<vmem>>, vector<16xi32>,
          %swap3A_162 = arith.constant 0 : i32
          %swap3A_163 = arith.index_cast %swap3A_162 : i32 to index
          %swap3A_164 = arith.constant 80 : index
          %swap3A_165 = tpu.vector_load %arg11[%swap3A_163, %swap3A_164] {strides = array<i32>} : memref<1x128xi32, #tpu.memory_space<vmem>>, vector<16xi32>,
          tpu.vector_store %arg11[%swap3A_163, %swap3A_164], %get3A_161 {strides = array<i32>} : memref<1x128xi32, #tpu.memory_space<vmem>>, vector<16xi32>,
          %mul3A_166 = arith.constant 128 : i32
          %mul3A_167 = arith.muli %add3A_106, %mul3A_166 : i32
          %add3A_168 = arith.constant 96 : i32
          %add3A_169 = arith.addi %mul3A_167, %add3A_168 : i32
          %get3A_170 = arith.index_cast %add3A_169 : i32 to index
          %get3A_171 = tpu.vector_load %arg10[%get3A_170] {strides = array<i32>} : memref<10368xi32, #tpu.memory_space<vmem>>, vector<16xi32>,
          %swap3A_172 = arith.constant 0 : i32
          %swap3A_173 = arith.index_cast %swap3A_172 : i32 to index
          %swap3A_174 = arith.constant 96 : index
          %swap3A_175 = tpu.vector_load %arg11[%swap3A_173, %swap3A_174] {strides = array<i32>} : memref<1x128xi32, #tpu.memory_space<vmem>>, vector<16xi32>,
          tpu.vector_store %arg11[%swap3A_173, %swap3A_174], %get3A_171 {strides = array<i32>} : memref<1x128xi32, #tpu.memory_space<vmem>>, vector<16xi32>,
          %mul3A_176 = arith.constant 128 : i32
          %mul3A_177 = arith.muli %add3A_106, %mul3A_176 : i32
          %add3A_178 = arith.constant 112 : i32
          %add3A_179 = arith.addi %mul3A_177, %add3A_178 : i32
          %get3A_180 = arith.index_cast %add3A_179 : i32 to index
          %get3A_181 = tpu.vector_load %arg10[%get3A_180] {strides = array<i32>} : memref<10368xi32, #tpu.memory_space<vmem>>, vector<16xi32>,
          %swap3A_182 = arith.constant 0 : i32
          %swap3A_183 = arith.index_cast %swap3A_182 : i32 to index
          %swap3A_184 = arith.constant 112 : index
          %swap3A_185 = tpu.vector_load %arg11[%swap3A_183, %swap3A_184] {strides = array<i32>} : memref<1x128xi32, #tpu.memory_space<vmem>>, vector<16xi32>,
          tpu.vector_store %arg11[%swap3A_183, %swap3A_184], %get3A_181 {strides = array<i32>} : memref<1x128xi32, #tpu.memory_space<vmem>>, vector<16xi32>,
          %run_scoped3A = arith.constant 0 : i32
          "tpu.region"() ({
            %run_scoped3A_186 = tpu.sem_alloc : memref<!tpu.dma_semaphore, #tpu.memory_space<semaphore_mem>>
            %dma_start3A = arith.constant 0 : i32
            %dma_start3A_187 = tpu.memref_slice %arg11[%run_scoped3A, %dma_start3A] : memref<1x128xi32, #tpu.memory_space<vmem>> -> memref<1x128xi32, #tpu.memory_space<vmem>>
            %dma_start3A_188 = tpu.memref_squeeze %dma_start3A_187 : memref<1x128xi32, #tpu.memory_space<vmem>> -> memref<128xi32, #tpu.memory_space<vmem>>
            %dma_start3A_189 = arith.constant 0 : i32
            %dma_start3A_190 = tpu.memref_slice %arg13[%dma_start3A_189] : memref<665600xf32, #tpu.memory_space<vmem_shared>> -> memref<665600xf32, #tpu.memory_space<vmem_shared>>
            tpu.enqueue_indirect_dma source(%arg12 : memref<128xf32, #tpu.memory_space<vmem>>) target(%dma_start3A_190 : memref<665600xf32, #tpu.memory_space<vmem_shared>>) offsets(%dma_start3A_188 : memref<128xi32, #tpu.memory_space<vmem>>) semaphore(%run_scoped3A_186 : memref<!tpu.dma_semaphore, #tpu.memory_space<semaphore_mem>>) {add = true}
            %dma_wait3A = arith.constant 0 : i32
            %dma_wait3A_191 = tpu.memref_slice %arg11[%run_scoped3A, %dma_wait3A] : memref<1x128xi32, #tpu.memory_space<vmem>> -> memref<1x128xi32, #tpu.memory_space<vmem>>
            %dma_wait3A_192 = tpu.memref_squeeze %dma_wait3A_191 : memref<1x128xi32, #tpu.memory_space<vmem>> -> memref<128xi32, #tpu.memory_space<vmem>>
            %dma_wait3A_193 = arith.constant 0 : i32
            %dma_wait3A_194 = tpu.memref_slice %arg13[%dma_wait3A_193] : memref<665600xf32, #tpu.memory_space<vmem_shared>> -> memref<665600xf32, #tpu.memory_space<vmem_shared>>
            tpu.wait_indirect_dma semaphore(%run_scoped3A_186 : memref<!tpu.dma_semaphore, #tpu.memory_space<semaphore_mem>>) src(%arg12 : memref<128xf32, #tpu.memory_space<vmem>>) dst(%dma_wait3A_194 : memref<665600xf32, #tpu.memory_space<vmem_shared>>)
            tpu.yield
          }) : () -> ()
        }
        %while3A_103 = arith.constant 1 : i32
        scf.for %while3A_104 = %while3A_101 to %while3A_97 step %while3A_103  : i32 {
          %mul3A_105 = arith.muli %while3A_104, %while3A : i32
          %add3A_106 = arith.addi %while3A_94, %mul3A_105 : i32
          %mul3A_107 = arith.constant 128 : i32
          %mul3A_108 = arith.muli %add3A_106, %mul3A_107 : i32
          %add3A_109 = arith.constant 0 : i32
          %add3A_110 = arith.addi %mul3A_108, %add3A_109 : i32
          %get3A = arith.index_cast %add3A_110 : i32 to index
          %get3A_111 = tpu.vector_load %arg10[%get3A] {strides = array<i32>} : memref<10368xi32, #tpu.memory_space<vmem>>, vector<16xi32>,
          %swap3A_112 = arith.constant 0 : i32
          %swap3A_113 = arith.index_cast %swap3A_112 : i32 to index
          %swap3A_114 = arith.constant 0 : index
          %swap3A_115 = tpu.vector_load %arg11[%swap3A_113, %swap3A_114] {strides = array<i32>} : memref<1x128xi32, #tpu.memory_space<vmem>>, vector<16xi32>,
          tpu.vector_store %arg11[%swap3A_113, %swap3A_114], %get3A_111 {strides = array<i32>} : memref<1x128xi32, #tpu.memory_space<vmem>>, vector<16xi32>,
          %mul3A_116 = arith.constant 128 : i32
          %mul3A_117 = arith.muli %add3A_106, %mul3A_116 : i32
          %add3A_118 = arith.constant 16 : i32
          %add3A_119 = arith.addi %mul3A_117, %add3A_118 : i32
          %get3A_120 = arith.index_cast %add3A_119 : i32 to index
          %get3A_121 = tpu.vector_load %arg10[%get3A_120] {strides = array<i32>} : memref<10368xi32, #tpu.memory_space<vmem>>, vector<16xi32>,
          %swap3A_122 = arith.constant 0 : i32
          %swap3A_123 = arith.index_cast %swap3A_122 : i32 to index
          %swap3A_124 = arith.constant 16 : index
          %swap3A_125 = tpu.vector_load %arg11[%swap3A_123, %swap3A_124] {strides = array<i32>} : memref<1x128xi32, #tpu.memory_space<vmem>>, vector<16xi32>,
          tpu.vector_store %arg11[%swap3A_123, %swap3A_124], %get3A_121 {strides = array<i32>} : memref<1x128xi32, #tpu.memory_space<vmem>>, vector<16xi32>,
          %mul3A_126 = arith.constant 128 : i32
          %mul3A_127 = arith.muli %add3A_106, %mul3A_126 : i32
          %add3A_128 = arith.constant 32 : i32
          %add3A_129 = arith.addi %mul3A_127, %add3A_128 : i32
          %get3A_130 = arith.index_cast %add3A_129 : i32 to index
          %get3A_131 = tpu.vector_load %arg10[%get3A_130] {strides = array<i32>} : memref<10368xi32, #tpu.memory_space<vmem>>, vector<16xi32>,
          %swap3A_132 = arith.constant 0 : i32
          %swap3A_133 = arith.index_cast %swap3A_132 : i32 to index
          %swap3A_134 = arith.constant 32 : index
          %swap3A_135 = tpu.vector_load %arg11[%swap3A_133, %swap3A_134] {strides = array<i32>} : memref<1x128xi32, #tpu.memory_space<vmem>>, vector<16xi32>,
          tpu.vector_store %arg11[%swap3A_133, %swap3A_134], %get3A_131 {strides = array<i32>} : memref<1x128xi32, #tpu.memory_space<vmem>>, vector<16xi32>,
          %mul3A_136 = arith.constant 128 : i32
          %mul3A_137 = arith.muli %add3A_106, %mul3A_136 : i32
          %add3A_138 = arith.constant 48 : i32
          %add3A_139 = arith.addi %mul3A_137, %add3A_138 : i32
          %get3A_140 = arith.index_cast %add3A_139 : i32 to index
          %get3A_141 = tpu.vector_load %arg10[%get3A_140] {strides = array<i32>} : memref<10368xi32, #tpu.memory_space<vmem>>, vector<16xi32>,
          %swap3A_142 = arith.constant 0 : i32
          %swap3A_143 = arith.index_cast %swap3A_142 : i32 to index
          %swap3A_144 = arith.constant 48 : index
          %swap3A_145 = tpu.vector_load %arg11[%swap3A_143, %swap3A_144] {strides = array<i32>} : memref<1x128xi32, #tpu.memory_space<vmem>>, vector<16xi32>,
          tpu.vector_store %arg11[%swap3A_143, %swap3A_144], %get3A_141 {strides = array<i32>} : memref<1x128xi32, #tpu.memory_space<vmem>>, vector<16xi32>,
          %mul3A_146 = arith.constant 128 : i32
          %mul3A_147 = arith.muli %add3A_106, %mul3A_146 : i32
          %add3A_148 = arith.constant 64 : i32
          %add3A_149 = arith.addi %mul3A_147, %add3A_148 : i32
          %get3A_150 = arith.index_cast %add3A_149 : i32 to index
          %get3A_151 = tpu.vector_load %arg10[%get3A_150] {strides = array<i32>} : memref<10368xi32, #tpu.memory_space<vmem>>, vector<16xi32>,
          %swap3A_152 = arith.constant 0 : i32
          %swap3A_153 = arith.index_cast %swap3A_152 : i32 to index
          %swap3A_154 = arith.constant 64 : index
          %swap3A_155 = tpu.vector_load %arg11[%swap3A_153, %swap3A_154] {strides = array<i32>} : memref<1x128xi32, #tpu.memory_space<vmem>>, vector<16xi32>,
          tpu.vector_store %arg11[%swap3A_153, %swap3A_154], %get3A_151 {strides = array<i32>} : memref<1x128xi32, #tpu.memory_space<vmem>>, vector<16xi32>,
          %mul3A_156 = arith.constant 128 : i32
          %mul3A_157 = arith.muli %add3A_106, %mul3A_156 : i32
          %add3A_158 = arith.constant 80 : i32
          %add3A_159 = arith.addi %mul3A_157, %add3A_158 : i32
          %get3A_160 = arith.index_cast %add3A_159 : i32 to index
          %get3A_161 = tpu.vector_load %arg10[%get3A_160] {strides = array<i32>} : memref<10368xi32, #tpu.memory_space<vmem>>, vector<16xi32>,
          %swap3A_162 = arith.constant 0 : i32
          %swap3A_163 = arith.index_cast %swap3A_162 : i32 to index
          %swap3A_164 = arith.constant 80 : index
          %swap3A_165 = tpu.vector_load %arg11[%swap3A_163, %swap3A_164] {strides = array<i32>} : memref<1x128xi32, #tpu.memory_space<vmem>>, vector<16xi32>,
          tpu.vector_store %arg11[%swap3A_163, %swap3A_164], %get3A_161 {strides = array<i32>} : memref<1x128xi32, #tpu.memory_space<vmem>>, vector<16xi32>,
          %mul3A_166 = arith.constant 128 : i32
          %mul3A_167 = arith.muli %add3A_106, %mul3A_166 : i32
          %add3A_168 = arith.constant 96 : i32
          %add3A_169 = arith.addi %mul3A_167, %add3A_168 : i32
          %get3A_170 = arith.index_cast %add3A_169 : i32 to index
          %get3A_171 = tpu.vector_load %arg10[%get3A_170] {strides = array<i32>} : memref<10368xi32, #tpu.memory_space<vmem>>, vector<16xi32>,
          %swap3A_172 = arith.constant 0 : i32
          %swap3A_173 = arith.index_cast %swap3A_172 : i32 to index
          %swap3A_174 = arith.constant 96 : index
          %swap3A_175 = tpu.vector_load %arg11[%swap3A_173, %swap3A_174] {strides = array<i32>} : memref<1x128xi32, #tpu.memory_space<vmem>>, vector<16xi32>,
          tpu.vector_store %arg11[%swap3A_173, %swap3A_174], %get3A_171 {strides = array<i32>} : memref<1x128xi32, #tpu.memory_space<vmem>>, vector<16xi32>,
          %mul3A_176 = arith.constant 128 : i32
          %mul3A_177 = arith.muli %add3A_106, %mul3A_176 : i32
          %add3A_178 = arith.constant 112 : i32
          %add3A_179 = arith.addi %mul3A_177, %add3A_178 : i32
          %get3A_180 = arith.index_cast %add3A_179 : i32 to index
          %get3A_181 = tpu.vector_load %arg10[%get3A_180] {strides = array<i32>} : memref<10368xi32, #tpu.memory_space<vmem>>, vector<16xi32>,
          %swap3A_182 = arith.constant 0 : i32
          %swap3A_183 = arith.index_cast %swap3A_182 : i32 to index
          %swap3A_184 = arith.constant 112 : index
          %swap3A_185 = tpu.vector_load %arg11[%swap3A_183, %swap3A_184] {strides = array<i32>} : memref<1x128xi32, #tpu.memory_space<vmem>>, vector<16xi32>,
          tpu.vector_store %arg11[%swap3A_183, %swap3A_184], %get3A_181 {strides = array<i32>} : memref<1x128xi32, #tpu.memory_space<vmem>>, vector<16xi32>,
          %run_scoped3A = arith.constant 0 : i32
          "tpu.region"() ({
            %run_scoped3A_186 = tpu.sem_alloc : memref<!tpu.dma_semaphore, #tpu.memory_space<semaphore_mem>>
            %dma_start3A = arith.constant 0 : i32
            %dma_start3A_187 = tpu.memref_slice %arg11[%run_scoped3A, %dma_start3A] : memref<1x128xi32, #tpu.memory_space<vmem>> -> memref<1x128xi32, #tpu.memory_space<vmem>>
            %dma_start3A_188 = tpu.memref_squeeze %dma_start3A_187 : memref<1x128xi32, #tpu.memory_space<vmem>> -> memref<128xi32, #tpu.memory_space<vmem>>
            %dma_start3A_189 = arith.constant 0 : i32
            %dma_start3A_190 = tpu.memref_slice %arg13[%dma_start3A_189] : memref<665600xf32, #tpu.memory_space<vmem_shared>> -> memref<665600xf32, #tpu.memory_space<vmem_shared>>
            tpu.enqueue_indirect_dma source(%arg12 : memref<128xf32, #tpu.memory_space<vmem>>) target(%dma_start3A_190 : memref<665600xf32, #tpu.memory_space<vmem_shared>>) offsets(%dma_start3A_188 : memref<128xi32, #tpu.memory_space<vmem>>) semaphore(%run_scoped3A_186 : memref<!tpu.dma_semaphore, #tpu.memory_space<semaphore_mem>>) {add = true}
            %dma_wait3A = arith.constant 0 : i32
            %dma_wait3A_191 = tpu.memref_slice %arg11[%run_scoped3A, %dma_wait3A] : memref<1x128xi32, #tpu.memory_space<vmem>> -> memref<1x128xi32, #tpu.memory_space<vmem>>
            %dma_wait3A_192 = tpu.memref_squeeze %dma_wait3A_191 : memref<1x128xi32, #tpu.memory_space<vmem>> -> memref<128xi32, #tpu.memory_space<vmem>>
            %dma_wait3A_193 = arith.constant 0 : i32
            %dma_wait3A_194 = tpu.memref_slice %arg13[%dma_wait3A_193] : memref<665600xf32, #tpu.memory_space<vmem_shared>> -> memref<665600xf32, #tpu.memory_space<vmem_shared>>
            tpu.wait_indirect_dma semaphore(%run_scoped3A_186 : memref<!tpu.dma_semaphore, #tpu.memory_space<semaphore_mem>>) src(%arg12 : memref<128xf32, #tpu.memory_space<vmem>>) dst(%dma_wait3A_194 : memref<665600xf32, #tpu.memory_space<vmem_shared>>)
            tpu.yield
          }) : () -> ()
        }
      } else {
      }
      %barrier3A_85 = arith.constant 0 : index
      tpu.barrier barrier_id(%barrier3A_85)
    }
    %scan3A_74 = arith.constant 16 : i32
    %mul3A_75 = arith.constant 41600 : i32
    %mul3A_76 = arith.muli %arg1, %mul3A_75 : i32
    %mul3A_77 = arith.constant 41600 : i32
    %mul3A_78 = arith.muli %arg1, %mul3A_77 : i32
    "tpu.region"() ({
      %run_scoped3A = tpu.sem_alloc : memref<!tpu.dma_semaphore, #tpu.memory_space<semaphore_mem>>
      %dma_start3A = tpu.memref_slice %arg6[%arg0, %mul3A_78] : memref<2x665600xf32, #tpu.memory_space<hbm>> -> memref<1x41600xf32, #tpu.memory_space<hbm>>
      %dma_start3A_79 = tpu.memref_squeeze %dma_start3A : memref<1x41600xf32, #tpu.memory_space<hbm>> -> memref<41600xf32, #tpu.memory_space<hbm>>
      %dma_start3A_80 = tpu.memref_slice %arg13[%mul3A_76] : memref<665600xf32, #tpu.memory_space<vmem_shared>> -> memref<41600xf32, #tpu.memory_space<vmem_shared>>
      tpu.enqueue_dma source(%dma_start3A_80 : memref<41600xf32, #tpu.memory_space<vmem_shared>>) target(%dma_start3A_79 : memref<41600xf32, #tpu.memory_space<hbm>>) target_semaphore(%run_scoped3A : memref<!tpu.dma_semaphore, #tpu.memory_space<semaphore_mem>>)
      %dma_wait3A = tpu.memref_slice %arg6[%arg0, %mul3A_78] : memref<2x665600xf32, #tpu.memory_space<hbm>> -> memref<1x41600xf32, #tpu.memory_space<hbm>>
      %dma_wait3A_81 = tpu.memref_squeeze %dma_wait3A : memref<1x41600xf32, #tpu.memory_space<hbm>> -> memref<41600xf32, #tpu.memory_space<hbm>>
      %dma_wait3A_82 = tpu.memref_slice %arg13[%mul3A_76] : memref<665600xf32, #tpu.memory_space<vmem_shared>> -> memref<41600xf32, #tpu.memory_space<vmem_shared>>
      tpu.wait_dma2 semaphore(%run_scoped3A : memref<!tpu.dma_semaphore, #tpu.memory_space<semaphore_mem>>) src(%dma_wait3A_82 : memref<41600xf32, #tpu.memory_space<vmem_shared>>) dst(%dma_wait3A_81 : memref<41600xf32, #tpu.memory_space<hbm>>)
      tpu.yield
    }) : () -> ()
    return
  }
}

module attributes {stable_mosaic.version = 14 : i64} {
  func.func @_stats_body(%arg0: memref<1x10240xi32, #tpu.memory_space<vmem>>, %arg1: memref<64x1xf32, #tpu.memory_space<vmem>>, %arg2: memref<1x10240xi32, #tpu.memory_space<vmem>>, %arg3: memref<64x64xf32, #tpu.memory_space<vmem>>) attributes {dimension_semantics = [], scalar_prefetch = 0 : i64, scratch_operands = 0 : i64, tpu.core_type = #tpu.core_type<tc>} {
    %get3A = arith.constant 0 : index
    %get3A_0 = arith.constant 0 : index
    %get3A_1 = vector.load %arg0[%get3A, %get3A_0] : memref<1x10240xi32, #tpu.memory_space<vmem>>, vector<1x10240xi32>
    %iota3A = tpu.iota {dimensions = array<i32: 0>} : vector<64x1xi32>
    %eq3A = vector.broadcast %get3A_1 : vector<1x10240xi32> to vector<64x10240xi32>
    %eq3A_2 = vector.broadcast %iota3A : vector<64x1xi32> to vector<64x10240xi32>
    %eq3A_3 = arith.cmpi eq, %eq3A, %eq3A_2 : vector<64x10240xi32>
    %convert_element_type3A = arith.extui %eq3A_3 : vector<64x10240xi1> to vector<64x10240xi32>
    %convert_element_type3A_4 = arith.sitofp %convert_element_type3A : vector<64x10240xi32> to vector<64x10240xf32>
    %reduce_sum3A = arith.constant dense<0.000000e+00> : vector<64xf32>
    %reduce_sum3A_5 = vector.multi_reduction <add>, %convert_element_type3A_4, %reduce_sum3A [1] : vector<64x10240xf32> to vector<64xf32>
    %broadcast_in_dim3A = vector.shape_cast %reduce_sum3A_5 : vector<64xf32> to vector<64x1xf32>
    %swap3A = arith.constant 0 : index
    %swap3A_6 = arith.constant 0 : index
    %swap3A_7 = vector.load %arg1[%swap3A, %swap3A_6] : memref<64x1xf32, #tpu.memory_space<vmem>>, vector<64x1xf32>
    tpu.vector_store %arg1[%swap3A, %swap3A_6], %broadcast_in_dim3A {strides = array<i32>} : memref<64x1xf32, #tpu.memory_space<vmem>>, vector<64x1xf32>,
    %lt3A = vector.broadcast %get3A_1 : vector<1x10240xi32> to vector<64x10240xi32>
    %lt3A_8 = vector.broadcast %iota3A : vector<64x1xi32> to vector<64x10240xi32>
    %lt3A_9 = arith.cmpi slt, %lt3A, %lt3A_8 : vector<64x10240xi32>
    %convert_element_type3A_10 = arith.extui %lt3A_9 : vector<64x10240xi1> to vector<64x10240xi32>
    %reduce_sum3A_11 = arith.constant dense<0> : vector<64xi32>
    %reduce_sum3A_12 = vector.multi_reduction <add>, %convert_element_type3A_10, %reduce_sum3A_11 [1] : vector<64x10240xi32> to vector<64xi32>
    %broadcast_in_dim3A_13 = vector.shape_cast %reduce_sum3A_12 : vector<64xi32> to vector<64x1xi32>
    %gt3A = arith.constant 0.000000e+00 : f32
    %gt3A_14 = vector.broadcast %gt3A : f32 to vector<64x1xf32>
    %gt3A_15 = arith.cmpf ogt, %broadcast_in_dim3A, %gt3A_14 : vector<64x1xf32>
    %jit3A = arith.constant 9999 : i32
    %broadcast_in_dim3A_16 = vector.broadcast %jit3A : i32 to vector<64x1xi32>
    %select_n3A = arith.select %gt3A_15, %broadcast_in_dim3A_13, %broadcast_in_dim3A_16 : vector<64x1xi1>, vector<64x1xi32>
    %iota3A_17 = tpu.iota {dimensions = array<i32: 1>} : vector<1x10240xi32>
    %eq3A_18 = vector.broadcast %iota3A_17 : vector<1x10240xi32> to vector<64x10240xi32>
    %eq3A_19 = vector.broadcast %select_n3A : vector<64x1xi32> to vector<64x10240xi32>
    %eq3A_20 = arith.cmpi eq, %eq3A_18, %eq3A_19 : vector<64x10240xi32>
    %jit3A_21 = arith.constant -1 : i32
    %broadcast_in_dim3A_22 = vector.shape_cast %iota3A : vector<64x1xi32> to vector<64x1xi32>
    %broadcast_in_dim3A_23 = vector.broadcast %broadcast_in_dim3A_22 : vector<64x1xi32> to vector<64x10240xi32>
    %broadcast_in_dim3A_24 = vector.broadcast %jit3A_21 : i32 to vector<64x10240xi32>
    %select_n3A_25 = arith.select %eq3A_20, %broadcast_in_dim3A_23, %broadcast_in_dim3A_24 : vector<64x10240xi1>, vector<64x10240xi32>
    %reduce_max3A = arith.constant dense<-2147483648> : vector<10240xi32>
    %reduce_max3A_26 = vector.multi_reduction <maxsi>, %select_n3A_25, %reduce_max3A [0] : vector<64x10240xi32> to vector<10240xi32>
    %broadcast_in_dim3A_27 = vector.shape_cast %reduce_max3A_26 : vector<10240xi32> to vector<1x10240xi32>
    %ge3A = arith.constant 0 : i32
    %ge3A_28 = vector.broadcast %ge3A : i32 to vector<1x10240xi32>
    %ge3A_29 = arith.cmpi sge, %broadcast_in_dim3A_27, %ge3A_28 : vector<1x10240xi32>
    %jit3A_30 = arith.constant 64 : i32
    %broadcast_in_dim3A_31 = vector.broadcast %jit3A_30 : i32 to vector<1x10240xi32>
    %select_n3A_32 = arith.select %ge3A_29, %broadcast_in_dim3A_27, %broadcast_in_dim3A_31 : vector<1x10240xi1>, vector<1x10240xi32>
    %swap3A_33 = arith.constant 0 : index
    %swap3A_34 = arith.constant 0 : index
    %swap3A_35 = vector.load %arg2[%swap3A_33, %swap3A_34] : memref<1x10240xi32, #tpu.memory_space<vmem>>, vector<1x10240xi32>
    tpu.vector_store %arg2[%swap3A_33, %swap3A_34], %select_n3A_32 {strides = array<i32>} : memref<1x10240xi32, #tpu.memory_space<vmem>>, vector<1x10240xi32>,
    %convert_element_type3A_36 = arith.sitofp %select_n3A : vector<64x1xi32> to vector<64x1xf32>
    %iota3A_37 = tpu.iota {dimensions = array<i32: 0>} : vector<64x64xi32>
    %iota3A_38 = tpu.iota {dimensions = array<i32: 1>} : vector<64x64xi32>
    %eq3A_39 = arith.cmpi eq, %iota3A_37, %iota3A_38 : vector<64x64xi32>
    %convert_element_type3A_40 = arith.extui %eq3A_39 : vector<64x64xi1> to vector<64x64xi32>
    %convert_element_type3A_41 = arith.sitofp %convert_element_type3A_40 : vector<64x64xi32> to vector<64x64xf32>
    %dot_general3A = arith.constant dense<0.000000e+00> : vector<1x64xf32>
    %dot_general3A_42 = tpu.matmul %convert_element_type3A_36, %convert_element_type3A_41, %dot_general3A {dimension_numbers = #tpu.dot_dimension_numbers<[0], [0], [1], [1], [0, 1, 1, 1], [], []>, precision = #tpu.contract_precision<fp32>, transpose_lhs_hint = false} : vector<64x1xf32>, vector<64x64xf32>, vector<1x64xf32> -> vector<1x64xf32>
    %eq3A_43 = vector.broadcast %convert_element_type3A_36 : vector<64x1xf32> to vector<64x64xf32>
    %eq3A_44 = vector.broadcast %dot_general3A_42 : vector<1x64xf32> to vector<64x64xf32>
    %eq3A_45 = arith.cmpf oeq, %eq3A_43, %eq3A_44 : vector<64x64xf32>
    %iota3A_46 = tpu.iota {dimensions = array<i32: 1>} : vector<1x64xi32>
    %jit3A_47 = arith.constant -1 : i32
    %broadcast_in_dim3A_48 = vector.shape_cast %iota3A_46 : vector<1x64xi32> to vector<1x64xi32>
    %broadcast_in_dim3A_49 = vector.broadcast %broadcast_in_dim3A_48 : vector<1x64xi32> to vector<64x64xi32>
    %broadcast_in_dim3A_50 = vector.broadcast %jit3A_47 : i32 to vector<64x64xi32>
    %select_n3A_51 = arith.select %eq3A_45, %broadcast_in_dim3A_49, %broadcast_in_dim3A_50 : vector<64x64xi1>, vector<64x64xi32>
    %reduce_max3A_52 = arith.constant dense<-2147483648> : vector<64xi32>
    %reduce_max3A_53 = vector.multi_reduction <maxsi>, %select_n3A_51, %reduce_max3A_52 [1] : vector<64x64xi32> to vector<64xi32>
    %broadcast_in_dim3A_54 = vector.shape_cast %reduce_max3A_53 : vector<64xi32> to vector<64x1xi32>
    %eq3A_55 = vector.broadcast %broadcast_in_dim3A_54 : vector<64x1xi32> to vector<64x64xi32>
    %eq3A_56 = vector.broadcast %iota3A_46 : vector<1x64xi32> to vector<64x64xi32>
    %eq3A_57 = arith.cmpi eq, %eq3A_55, %eq3A_56 : vector<64x64xi32>
    %convert_element_type3A_58 = arith.extui %eq3A_57 : vector<64x64xi1> to vector<64x64xi32>
    %convert_element_type3A_59 = arith.sitofp %convert_element_type3A_58 : vector<64x64xi32> to vector<64x64xf32>
    %swap3A_60 = arith.constant 0 : index
    %swap3A_61 = arith.constant 0 : index
    %swap3A_62 = vector.load %arg3[%swap3A_60, %swap3A_61] : memref<64x64xf32, #tpu.memory_space<vmem>>, vector<64x64xf32>
    tpu.vector_store %arg3[%swap3A_60, %swap3A_61], %convert_element_type3A_59 {strides = array<i32>} : memref<64x64xf32, #tpu.memory_space<vmem>>, vector<64x64xf32>,
    return
  }
}

module attributes {stable_mosaic.version = 14 : i64} {
  func.func @_dense_body(%arg0: memref<10240x128xf32, #tpu.memory_space<vmem>>, %arg1: memref<128x128xf32, #tpu.memory_space<vmem>>, %arg2: memref<1x128xf32, #tpu.memory_space<vmem>>, %arg3: memref<128x128xf32, #tpu.memory_space<vmem>>, %arg4: memref<1x128xf32, #tpu.memory_space<vmem>>, %arg5: memref<128x1xf32, #tpu.memory_space<vmem>>, %arg6: memref<1x1xf32, #tpu.memory_space<vmem>>, %arg7: memref<10240x128xf32, #tpu.memory_space<vmem>>, %arg8: memref<1x10240xf32, #tpu.memory_space<vmem>>) attributes {dimension_semantics = [], scalar_prefetch = 0 : i64, scratch_operands = 0 : i64, tpu.core_type = #tpu.core_type<tc>} {
    %get3A = arith.constant 0 : index
    %get3A_0 = arith.constant 0 : index
    %get3A_1 = vector.load %arg0[%get3A, %get3A_0] : memref<10240x128xf32, #tpu.memory_space<vmem>>, vector<10240x128xf32>
    %get3A_2 = arith.constant 0 : index
    %get3A_3 = arith.constant 0 : index
    %get3A_4 = vector.load %arg1[%get3A_2, %get3A_3] : memref<128x128xf32, #tpu.memory_space<vmem>>, vector<128x128xf32>
    %dot_general3A = arith.constant dense<0.000000e+00> : vector<10240x128xf32>
    %dot_general3A_5 = tpu.matmul %get3A_1, %get3A_4, %dot_general3A {dimension_numbers = #tpu.dot_dimension_numbers<[1], [0], [0], [1], [0, 0, 1, 1], [], []>, precision = #tpu.contract_precision<fp32>, transpose_lhs_hint = false} : vector<10240x128xf32>, vector<128x128xf32>, vector<10240x128xf32> -> vector<10240x128xf32>
    %get3A_6 = arith.constant 0 : index
    %get3A_7 = arith.constant 0 : index
    %get3A_8 = vector.load %arg2[%get3A_6, %get3A_7] : memref<1x128xf32, #tpu.memory_space<vmem>>, vector<1x128xf32>
    %add3A = vector.broadcast %get3A_8 : vector<1x128xf32> to vector<10240x128xf32>
    %add3A_9 = arith.addf %dot_general3A_5, %add3A : vector<10240x128xf32>
    %jit3A = arith.constant 0.00999999977 : f32
    %ge3A = arith.constant 0.000000e+00 : f32
    %ge3A_10 = vector.broadcast %ge3A : f32 to vector<10240x128xf32>
    %ge3A_11 = arith.cmpf oge, %add3A_9, %ge3A_10 : vector<10240x128xf32>
    %mul3A = vector.broadcast %jit3A : f32 to vector<10240x128xf32>
    %mul3A_12 = arith.mulf %mul3A, %add3A_9 : vector<10240x128xf32>
    %select_n3A = arith.select %ge3A_11, %add3A_9, %mul3A_12 : vector<10240x128xi1>, vector<10240x128xf32>
    %swap3A = arith.constant 0 : index
    %swap3A_13 = arith.constant 0 : index
    %swap3A_14 = vector.load %arg7[%swap3A, %swap3A_13] : memref<10240x128xf32, #tpu.memory_space<vmem>>, vector<10240x128xf32>
    tpu.vector_store %arg7[%swap3A, %swap3A_13], %select_n3A {strides = array<i32>} : memref<10240x128xf32, #tpu.memory_space<vmem>>, vector<10240x128xf32>,
    %get3A_15 = arith.constant 0 : index
    %get3A_16 = arith.constant 0 : index
    %get3A_17 = vector.load %arg3[%get3A_15, %get3A_16] : memref<128x128xf32, #tpu.memory_space<vmem>>, vector<128x128xf32>
    %dot_general3A_18 = arith.constant dense<0.000000e+00> : vector<10240x128xf32>
    %dot_general3A_19 = tpu.matmul %get3A_1, %get3A_17, %dot_general3A_18 {dimension_numbers = #tpu.dot_dimension_numbers<[1], [0], [0], [1], [0, 0, 1, 1], [], []>, precision = #tpu.contract_precision<fp32>, transpose_lhs_hint = false} : vector<10240x128xf32>, vector<128x128xf32>, vector<10240x128xf32> -> vector<10240x128xf32>
    %get3A_20 = arith.constant 0 : index
    %get3A_21 = arith.constant 0 : index
    %get3A_22 = vector.load %arg4[%get3A_20, %get3A_21] : memref<1x128xf32, #tpu.memory_space<vmem>>, vector<1x128xf32>
    %add3A_23 = vector.broadcast %get3A_22 : vector<1x128xf32> to vector<10240x128xf32>
    %add3A_24 = arith.addf %dot_general3A_19, %add3A_23 : vector<10240x128xf32>
    %jit3A_25 = arith.constant 0.00999999977 : f32
    %ge3A_26 = arith.constant 0.000000e+00 : f32
    %ge3A_27 = vector.broadcast %ge3A_26 : f32 to vector<10240x128xf32>
    %ge3A_28 = arith.cmpf oge, %add3A_24, %ge3A_27 : vector<10240x128xf32>
    %mul3A_29 = vector.broadcast %jit3A_25 : f32 to vector<10240x128xf32>
    %mul3A_30 = arith.mulf %mul3A_29, %add3A_24 : vector<10240x128xf32>
    %select_n3A_31 = arith.select %ge3A_28, %add3A_24, %mul3A_30 : vector<10240x128xi1>, vector<10240x128xf32>
    %get3A_32 = arith.constant 0 : index
    %get3A_33 = arith.constant 0 : index
    %get3A_34 = vector.load %arg5[%get3A_32, %get3A_33] : memref<128x1xf32, #tpu.memory_space<vmem>>, vector<128x1xf32>
    %dot_general3A_35 = arith.constant dense<0.000000e+00> : vector<1x10240xf32>
    %dot_general3A_36 = tpu.matmul %get3A_34, %select_n3A_31, %dot_general3A_35 {dimension_numbers = #tpu.dot_dimension_numbers<[0], [1], [1], [0], [0, 1, 1, 0], [], []>, precision = #tpu.contract_precision<fp32>, transpose_lhs_hint = false} : vector<128x1xf32>, vector<10240x128xf32>, vector<1x10240xf32> -> vector<1x10240xf32>
    %get3A_37 = arith.constant 0 : index
    %get3A_38 = arith.constant 0 : index
    %get3A_39 = vector.load %arg6[%get3A_37, %get3A_38] : memref<1x1xf32, #tpu.memory_space<vmem>>, vector<1x1xf32>
    %add3A_40 = vector.broadcast %get3A_39 : vector<1x1xf32> to vector<1x10240xf32>
    %add3A_41 = arith.addf %dot_general3A_36, %add3A_40 : vector<1x10240xf32>
    %swap3A_42 = arith.constant 0 : index
    %swap3A_43 = arith.constant 0 : index
    %swap3A_44 = vector.load %arg8[%swap3A_42, %swap3A_43] : memref<1x10240xf32, #tpu.memory_space<vmem>>, vector<1x10240xf32>
    tpu.vector_store %arg8[%swap3A_42, %swap3A_43], %add3A_41 {strides = array<i32>} : memref<1x10240xf32, #tpu.memory_space<vmem>>, vector<1x10240xf32>,
    return
  }
}

module attributes {stable_mosaic.version = 14 : i64} {
  func.func @_finish_body(%arg0: memref<64x10240xf32, #tpu.memory_space<vmem>>, %arg1: memref<64x10240xf32, #tpu.memory_space<vmem>>, %arg2: memref<1x10240xf32, #tpu.memory_space<vmem>>, %arg3: memref<10240x128xf32, #tpu.memory_space<vmem>>, %arg4: memref<64x64xf32, #tpu.memory_space<vmem>>, %arg5: memref<128x128xf32, #tpu.memory_space<vmem>>, %arg6: memref<1x128xf32, #tpu.memory_space<vmem>>, %arg7: memref<64x128xf32, #tpu.memory_space<vmem>>) attributes {dimension_semantics = [], scalar_prefetch = 0 : i64, scratch_operands = 0 : i64, tpu.core_type = #tpu.core_type<tc>} {
    %get3A = arith.constant 0 : index
    %get3A_0 = arith.constant 0 : index
    %get3A_1 = vector.load %arg0[%get3A, %get3A_0] : memref<64x10240xf32, #tpu.memory_space<vmem>>, vector<64x10240xf32>
    %get3A_2 = arith.constant 0 : index
    %get3A_3 = arith.constant 0 : index
    %get3A_4 = vector.load %arg1[%get3A_2, %get3A_3] : memref<64x10240xf32, #tpu.memory_space<vmem>>, vector<64x10240xf32>
    %add3A = arith.addf %get3A_1, %get3A_4 : vector<64x10240xf32>
    %get3A_5 = arith.constant 0 : index
    %get3A_6 = arith.constant 0 : index
    %get3A_7 = vector.load %arg2[%get3A_5, %get3A_6] : memref<1x10240xf32, #tpu.memory_space<vmem>>, vector<1x10240xf32>
    %gt3A = arith.constant 0.000000e+00 : f32
    %gt3A_8 = vector.broadcast %gt3A : f32 to vector<64x10240xf32>
    %gt3A_9 = arith.cmpf ogt, %add3A, %gt3A_8 : vector<64x10240xf32>
    %jit3A = arith.constant 0xFF800000 : f32
    %broadcast_in_dim3A = vector.shape_cast %get3A_7 : vector<1x10240xf32> to vector<1x10240xf32>
    %broadcast_in_dim3A_10 = vector.broadcast %broadcast_in_dim3A : vector<1x10240xf32> to vector<64x10240xf32>
    %broadcast_in_dim3A_11 = vector.broadcast %jit3A : f32 to vector<64x10240xf32>
    %select_n3A = arith.select %gt3A_9, %broadcast_in_dim3A_10, %broadcast_in_dim3A_11 : vector<64x10240xi1>, vector<64x10240xf32>
    %reduce_max3A = arith.constant dense<0xFF800000> : vector<64xf32>
    %reduce_max3A_12 = vector.multi_reduction <maximumf>, %select_n3A, %reduce_max3A [1] : vector<64x10240xf32> to vector<64xf32>
    %broadcast_in_dim3A_13 = vector.shape_cast %reduce_max3A_12 : vector<64xf32> to vector<64x1xf32>
    %sub3A = vector.broadcast %get3A_7 : vector<1x10240xf32> to vector<64x10240xf32>
    %sub3A_14 = vector.broadcast %broadcast_in_dim3A_13 : vector<64x1xf32> to vector<64x10240xf32>
    %sub3A_15 = arith.subf %sub3A, %sub3A_14 : vector<64x10240xf32>
    %exp3A = math.exp %sub3A_15 : vector<64x10240xf32>
    %mul3A = arith.mulf %add3A, %exp3A : vector<64x10240xf32>
    %jit3A_16 = arith.constant 0.000000e+00 : f32
    %broadcast_in_dim3A_17 = vector.broadcast %jit3A_16 : f32 to vector<64x10240xf32>
    %select_n3A_18 = arith.select %gt3A_9, %mul3A, %broadcast_in_dim3A_17 : vector<64x10240xi1>, vector<64x10240xf32>
    %reduce_sum3A = arith.constant dense<0.000000e+00> : vector<64xf32>
    %reduce_sum3A_19 = vector.multi_reduction <add>, %select_n3A_18, %reduce_sum3A [1] : vector<64x10240xf32> to vector<64xf32>
    %broadcast_in_dim3A_20 = vector.shape_cast %reduce_sum3A_19 : vector<64xf32> to vector<64x1xf32>
    %get3A_21 = arith.constant 0 : index
    %get3A_22 = arith.constant 0 : index
    %get3A_23 = vector.load %arg3[%get3A_21, %get3A_22] : memref<10240x128xf32, #tpu.memory_space<vmem>>, vector<10240x128xf32>
    %dot_general3A = arith.constant dense<0.000000e+00> : vector<64x128xf32>
    %dot_general3A_24 = tpu.matmul %select_n3A_18, %get3A_23, %dot_general3A {dimension_numbers = #tpu.dot_dimension_numbers<[1], [0], [0], [1], [0, 0, 1, 1], [], []>, precision = #tpu.contract_precision<fp32>, transpose_lhs_hint = false} : vector<64x10240xf32>, vector<10240x128xf32>, vector<64x128xf32> -> vector<64x128xf32>
    %gt3A_25 = arith.constant 0.000000e+00 : f32
    %gt3A_26 = vector.broadcast %gt3A_25 : f32 to vector<64x1xf32>
    %gt3A_27 = arith.cmpf ogt, %broadcast_in_dim3A_20, %gt3A_26 : vector<64x1xf32>
    %div3A = vector.broadcast %broadcast_in_dim3A_20 : vector<64x1xf32> to vector<64x128xf32>
    %div3A_28 = arith.divf %dot_general3A_24, %div3A : vector<64x128xf32>
    %jit3A_29 = arith.constant 0.000000e+00 : f32
    %broadcast_in_dim3A_30 = vector.shape_cast %gt3A_27 : vector<64x1xi1> to vector<64x1xi1>
    %broadcast_in_dim3A_31 = vector.broadcast %broadcast_in_dim3A_30 : vector<64x1xi1> to vector<64x128xi1>
    %broadcast_in_dim3A_32 = vector.broadcast %jit3A_29 : f32 to vector<64x128xf32>
    %select_n3A_33 = arith.select %broadcast_in_dim3A_31, %div3A_28, %broadcast_in_dim3A_32 : vector<64x128xi1>, vector<64x128xf32>
    %get3A_34 = arith.constant 0 : index
    %get3A_35 = arith.constant 0 : index
    %get3A_36 = vector.load %arg4[%get3A_34, %get3A_35] : memref<64x64xf32, #tpu.memory_space<vmem>>, vector<64x64xf32>
    %dot_general3A_37 = arith.constant dense<0.000000e+00> : vector<64x128xf32>
    %dot_general3A_38 = tpu.matmul %get3A_36, %select_n3A_33, %dot_general3A_37 {dimension_numbers = #tpu.dot_dimension_numbers<[1], [0], [0], [1], [0, 0, 1, 1], [], []>, precision = #tpu.contract_precision<fp32>, transpose_lhs_hint = false} : vector<64x64xf32>, vector<64x128xf32>, vector<64x128xf32> -> vector<64x128xf32>
    %get3A_39 = arith.constant 0 : index
    %get3A_40 = arith.constant 0 : index
    %get3A_41 = vector.load %arg5[%get3A_39, %get3A_40] : memref<128x128xf32, #tpu.memory_space<vmem>>, vector<128x128xf32>
    %dot_general3A_42 = arith.constant dense<0.000000e+00> : vector<64x128xf32>
    %dot_general3A_43 = tpu.matmul %dot_general3A_38, %get3A_41, %dot_general3A_42 {dimension_numbers = #tpu.dot_dimension_numbers<[1], [0], [0], [1], [0, 0, 1, 1], [], []>, precision = #tpu.contract_precision<fp32>, transpose_lhs_hint = false} : vector<64x128xf32>, vector<128x128xf32>, vector<64x128xf32> -> vector<64x128xf32>
    %get3A_44 = arith.constant 0 : index
    %get3A_45 = arith.constant 0 : index
    %get3A_46 = vector.load %arg6[%get3A_44, %get3A_45] : memref<1x128xf32, #tpu.memory_space<vmem>>, vector<1x128xf32>
    %add3A_47 = vector.broadcast %get3A_46 : vector<1x128xf32> to vector<64x128xf32>
    %add3A_48 = arith.addf %dot_general3A_43, %add3A_47 : vector<64x128xf32>
    %swap3A = arith.constant 0 : index
    %swap3A_49 = arith.constant 0 : index
    %swap3A_50 = vector.load %arg7[%swap3A, %swap3A_49] : memref<64x128xf32, #tpu.memory_space<vmem>>, vector<64x128xf32>
    tpu.vector_store %arg7[%swap3A, %swap3A_49], %add3A_48 {strides = array<i32>} : memref<64x128xf32, #tpu.memory_space<vmem>>, vector<64x128xf32>,
    return
  }
}

</mosaic_0001>

<sc_bundles>
// kernel: kernel.6.cloned.1.call-start
scs
__scs_entry_jumppad:
0x0: {  	(pc) =	sbr.rel $0x88, $3  }
0x1: {  	(tag) =	ssettag $0x0;
	lr =	simm.s32 $0x1  }
0x2: {  	[smem:$0x3F96] =	sst lr;
	_ =	strace $0xD0000000  }
0x3: {  	_ = 	snop  }
0x4: {  	_ = 	snop  }
0x5: {  	_ = 	snop  }
0x6: {  	_ = 	snop  }
0x7: {  	_ = 	snop  }
__scs_overlays_trampoline_lowered:
0x8: {  	[smem:$0x3FA5] =	sst s0  }
0x9: {  	[smem:$0x3FA6] =	sst s1  }
0xa: {  	[smem:$0x3FA7] =	sst s2  }
0xb: {  	[smem:$0x3FA8] =	sst s3  }
0xc: {  	[smem:$0x3FA9] =	sst s4  }
0xd: {  	[smem:$0x3FAA] =	sst s5  }
0xe: {  	[smem:$0x3FAB] =	sst s6  }
0xf: {  	[smem:$0x3FAC] =	sst s7  }
0x10: {  	[smem:$0x3FAD] =	sst s8  }
0x11: {  	[smem:$0x3FAE] =	sst s9;
	s0 =	simm.s32 @!p0 $0x0  }
0x12: {  	s1 =	sld [smem:$0x3F94];
	s0 =	simm.s32 @p0 $0x1  }
0x13: {  	[smem:$0x3FAF] =	sst s0;
	s0 =	simm.s32 @!p1 $0x0  }
0x14: {  	s2 =	sld [smem:$0x3F93];
	s0 =	simm.s32 @p1 $0x1  }
0x15: {  	[smem:$0x3FB0] =	sst s0;
	s0 =	simm.s32 @!p2 $0x0  }
0x16: {  	s3 =	sld [smem:$0x3FDB];
	s0 =	simm.s32 @p2 $0x1  }
0x17: {  	s4 =	simm.s32 $0x1BF5;
	[smem:$0x3FB2] =	sst s0  }
0x18: {  	s0 =	sld [smem:$0x3F95];
	_ =	swait.ge [sflag:s4], $0x0  }
0x19: {  	s7 =	sld [smem:$0x3F96]  }
0x1a: {  	s8 =	sadd.s32 $0xFFFFE003, lr  }
0x1b: {  	s9 =	sadd.s32 $0xFFFFFEF7, lr;
	s5 =	simm.s32 $0xFFFFFFFF;
	p2 =	slt.u32 s8, $0xFFFFF086  }
0x1c: {  	p1 =	slt.u32 s9, $0xF7A;
	s5 =	simm.s32 @!p2 $0x0  }
0x1d: {  	s5 =	simm.s32 @p1 $0x1;
	p0 =	seq.s32 s7, s2  }
0x1e: {  	s7 =	smul.u32 @!p0 $0xF7A, s2;
	p2 =	seq.s32 @!p0 s5, $0x0  }
0x1f: {  	s9 =	smul.u32 $0xF7A, s1;
	s8 =	simm.s32 @!p0 $0x1BF5;
	p2 =	por !p2, p0  }
0x20: {  	[sflag:s8] =	ssyncset.s32 @!p0 $0xFFFFF086;
	s6 =	sadd.s32 @!p0 s3, s7;
	s7 =	simm.s32 @!p0 $0x108  }
0x21: {  	s3 =	sadd.s32 s3, s9;
	s6 =	sadd.s32 @!p0 $0x88, s6;
	s7 =	simm.s32 @p2 $0x1082  }
0x22: {  	[simem:s7], [sflag:s8] =	dma.local @!p0 [hbm:s6], $0xF7A  }
0x23: {  	s9 =	sor.u32 $0xD0000000, s2;
	s6 =	simm.s32 $0x108;
	_ =	swait.ge @!p0 [sflag:s8], $0x0  }
0x24: {  	s3 =	sadd.s32 $0x88, s3;
	s6 =	simm.s32 @!p1 $0x1082;
	[sflag:s4] =	ssyncset.s32 $0xFFFFF086  }
0x25: {  	[simem:s6], [sflag:s4] =	dma.local [hbm:s3], $0xF7A  }
0x26: {  	[smem:$0x3F96] =	sst s1;
	(tag) =	ssettag s2;
	_ =	strace s9  }
0x27: {  	s1 =	sld [smem:$0x3FA6]  }
0x28: {  	s2 =	sld [smem:$0x3FA7]  }
0x29: {  	s4 =	sld [smem:$0x3FA9]  }
0x2a: {  	p0 =	seq.s32 s5, $0x0;
	s5 =	sld [smem:$0x3FAA]  }
0x2b: {  	s6 =	sld [smem:$0x3FAB]  }
0x2c: {  	s7 =	sld [smem:$0x3FAC]  }
0x2d: {  	s3 =	simm.s32 $0x108;
	s8 =	sld [smem:$0x3FAD]  }
0x2e: {  	s3 =	simm.s32 @!p0 $0x1082;
	s9 =	sld [smem:$0x3FAE]  }
0x2f: {  	lr =	sadd.s32 s0, s3;
	s0 =	sld [smem:$0x3FA5]  }
0x30: {  	s3 =	sld [smem:$0x3FA8]  }
0x31: {  	[smem:$0x3FB1] =	sst s10  }
0x32: {  	s10 =	sld [smem:$0x3FAF];
	_ =	sdelay $0x3  }
0x33: {  	p0 =	seq.s32 s10, $0x1;
	s10 =	sld [smem:$0x3FB1];
	_ =	sdelay $0x3  }
0x34: {  	[smem:$0x3FB1] =	sst s10  }
0x35: {  	s10 =	sld [smem:$0x3FB0];
	_ =	sdelay $0x3  }
0x36: {  	p1 =	seq.s32 s10, $0x1;
	s10 =	sld [smem:$0x3FB1];
	_ =	sdelay $0x3  }
0x37: {  	[smem:$0x3FB1] =	sst s10  }
0x38: {  	s10 =	sld [smem:$0x3FB2]  }
0x39: {  	_ = 	snop;
	(pc) =	sbr.ind lr, $3  }
0x3a: {  	_ = 	snop  }
0x3b: {  	_ = 	snop  }
0x3c: {  	p2 =	seq.s32 s10, $0x1;
	s10 =	sld [smem:$0x3FB1]  }
0x3d: {  	_ =	shalt  }
0x3e: {  	_ =	shalt  }
0x3f: {  	_ =	shalt  }
0x40: {  	_ =	shalt  }
0x41: {  	_ =	shalt  }
0x42: {  	_ =	shalt  }
0x43: {  	_ =	shalt  }
0x44: {  	_ =	shalt  }
0x45: {  	_ =	shalt  }
0x46: {  	_ =	shalt  }
0x47: {  	_ =	shalt  }
0x48: {  	_ =	shalt  }
0x49: {  	_ =	shalt  }
0x4a: {  	_ =	shalt  }
0x4b: {  	_ =	shalt  }
0x4c: {  	_ =	shalt  }
0x4d: {  	_ =	shalt  }
0x4e: {  	_ =	shalt  }
0x4f: {  	_ =	shalt  }
0x50: {  	_ =	shalt  }
0x51: {  	_ =	shalt  }
0x52: {  	_ =	shalt  }
0x53: {  	_ =	shalt  }
0x54: {  	_ =	shalt  }
0x55: {  	_ =	shalt  }
0x56: {  	_ =	shalt  }
0x57: {  	_ =	shalt  }
0x58: {  	_ =	shalt  }
0x59: {  	_ =	shalt  }
0x5a: {  	_ =	shalt  }
0x5b: {  	_ =	shalt  }
0x5c: {  	_ =	shalt  }
0x5d: {  	_ =	shalt  }
0x5e: {  	_ =	shalt  }
0x5f: {  	_ =	shalt  }
0x60: {  	_ =	shalt  }
0x61: {  	_ =	shalt  }
0x62: {  	_ =	shalt  }
0x63: {  	_ =	shalt  }
0x64: {  	_ =	shalt  }
0x65: {  	_ =	shalt  }
0x66: {  	_ =	shalt  }
0x67: {  	_ =	shalt  }
0x68: {  	_ =	shalt  }
0x69: {  	_ =	shalt  }
0x6a: {  	_ =	shalt  }
0x6b: {  	_ =	shalt  }
0x6c: {  	_ =	shalt  }
0x6d: {  	_ =	shalt  }
0x6e: {  	_ =	shalt  }
0x6f: {  	_ =	shalt  }
0x70: {  	_ =	shalt  }
0x71: {  	_ =	shalt  }
0x72: {  	_ =	shalt  }
0x73: {  	_ =	shalt  }
0x74: {  	_ =	shalt  }
0x75: {  	_ =	shalt  }
0x76: {  	_ =	shalt  }
0x77: {  	_ =	shalt  }
0x78: {  	_ =	shalt  }
0x79: {  	_ =	shalt  }
0x7a: {  	_ =	shalt  }
0x7b: {  	_ =	shalt  }
0x7c: {  	_ =	shalt  }
0x7d: {  	_ =	shalt  }
0x7e: {  	_ =	shalt  }
0x7f: {  	_ =	shalt  }
0x80: {  	_ =	shalt  }
0x81: {  	_ =	shalt  }
0x82: {  	_ =	shalt  }
0x83: {  	_ =	shalt  }
0x84: {  	_ =	shalt  }
0x85: {  	_ =	shalt  }
0x86: {  	_ =	shalt  }
0x87: {  	_ =	shalt  }
.Lfunc_end0:
.L_simem_size_0:
called_computation_lowered:
.L_overlay_start_0:
0x88: {  	s2 =	sld [smem:$0x3FD9]  }
0x89: {  	s3 =	sld [smem:$0x3FFE];
	_ =	sdelay $0x1  }
0x8a: {  	s1 =	srdreg.scid  }
0x8b: {  	s0 =	sand.u32 $0x1, s1  }
0x8c: {  	s16 =	sshll.u32 s0, $0xA;
	s2 =	sadd.s32 s3, s2  }
0x8d: {  	s2 =	sadd.s32 s2, s16  }
0x8e: {  	[smem:$0x3FBD] =	sst s2  }
0x8f: {  	_ = 	snop  }
0x90: {  	(tm) =	ssettm $0x1  }
0x91: {  	s17 =	sld [smem:$0x3FFB];
	_ =	sdelay $0x3  }
0x92: {  	_ =	strace s17  }
0x93: {  	s2 =	sld [smem:$0x3FFC];
	_ =	sdelay $0x3  }
0x94: {  	_ =	strace s2  }
0x95: {  	s2 =	sld [smem:$0x3FFD];
	_ =	sdelay $0x3  }
0x96: {  	_ =	strace s2  }
0x97: {  	_ =	strace $0x8FFFFFFF  }
0x98: {  	s18 =	sld [smem:$0x3FDB];
	_ =	sdelay $0x1  }
0x99: {  	s19 =	simm.s32 $_scs_section_size  }
0x9a: {  	s4 =	simm.s32 $_size__tile_overlayer_lowered;
	s5 =	simm.s32 $_tile_overlayer_lowered  }
0x9b: {  	s22 =	simm.s32 $0x1BFF;
	s21 =	sshll.u32 s5, $0x1;
	s2 =	sadd.s32 s19, s18  }
0x9c: {  	s6 =	simm.s32 $0x0;
	s20 =	sshll.u32 s4, $0x1;
	s4 =	sadd.s32 s21, s2  }
0x9d: {  	[timem:s6], [sflag:s22] =	dma.local [hbm:s4], s20  }
0x9e: {  	_ =	swait.ge [sflag:s22], s20  }
0x9f: {  	s3 =	ssub.s32 $0x0, s20;
	[sflag:s22] =	ssyncset.done $0x0  }
0xa0: {  	[sflag:s22] =	ssyncadd.s32 s3;
	_ =	sdelay $0x1  }
0xa1: {  	s23 =	simm.s32 $0x1B8B  }
0xa2: {  	_ =	swait.ge [sflag:s23], $0x1  }
0xa3: {  	[sflag:s23] =	ssyncset.done $0x0  }
0xa4: {  	s25 =	simm.s32 $0x1B8E;
	s24 =	sld [smem:$0x3FFE];
	[sflag:s23] =	ssyncadd.s32 $0xFFFFFFFF  }
0xa5: {  	s26 =	simm.s32 $execute0_lowered;
	[smem:$0x3FD2] =	sst s25  }
0xa6: {  	s4 =	sshll.u32 s26, $0x1;
	_ =	strace $0x80000046;
	[dreg:$0x1] =	wrdreg $0xFFFFFFFF  }
0xa7: {  	s28 =	simm.s32 $_size_execute0_lowered;
	s2 =	sadd.s32 s2, s4;
	[dreg:$0x0] =	wrdreg $0x0  }
0xa8: {  	s4 =	sshll.u32 s28, $0x1;
	[dreg:$0x2] =	wrdreg s2  }
0xa9: {  	[dreg:$0x3] =	wrdreg s4  }
0xaa: {  	[dreg:$0x4] =	wrdreg $0xC0  }
0xab: {  	_ =	task [dreg:s6], $0x5FFFF  }
0xac: {  	[dreg:$0x1] =	wrdreg $0xFFFFFFFF  }
0xad: {  	[dreg:$0x0] =	wrdreg $0x60  }
0xae: {  	[dreg:$0x2] =	wrdreg s24  }
0xaf: {  	[dreg:$0x3] =	wrdreg $0xA0800  }
0xb0: {  	[dreg:$0x4] =	wrdreg $0x9  }
0xb1: {  	_ =	task.clear_ibuf [dreg:s6], $0x5FFFF;
	_ =	strace $0x90000046  }
0xb2: {  	s29 =	simm.s32 $0x9;
	_ =	strace $0x80000048  }
0xb3: {  	_ =	swait.ge [sflag:s29], $0x1  }
0xb4: {  	[sflag:s29] =	ssyncadd.s32 $0xFFFFFFFF  }
0xb5: {  	_ =	strace $0x90000048  }
0xb6: {  	_ =	sfence  }
0xb7: {  	s30 =	sld [smem:$0x0];
	_ =	sdelay $0x2  }
0xb8: {  	s31 =	sshll.u32 s1, $0xD;
	s1 =	sshrl.u32 s1, $0x2  }
0xb9: {  	s3 =	sand.u32 $0x4000, s31;
	s1 =	sadd.s32 s1, s30  }
0xba: {  	s0 =	sor.u32 s3, s0;
	s1 =	sshll.u32 s1, $0x11  }
0xbb: {  	s0 =	sor.u32 s1, s0  }
0xbc: {  	s0 =	sadd.s32 $0x8F2B, s0  }
0xbd: {  	[sflag:s0] =	ssyncadd.remote.s32 $0x1  }
0xbe: {  	_ =	sfence.sel $0xFFFF  }
0xbf: {  	[dreg:$0x0] =	wrdreg $0xFFFFFFFF;
	(pc) =	sbr.abs _section_cstart, $3  }
0xc0: {  	[dreg:$0x1] =	wrdreg $0xFFFFFFFF  }
0xc1: {  	_ =	task.clear_ibuf [dreg:s6], $0x2FFFF;
	_ =	strace $0x9FFFFFFF  }
0xc2: {  	(tm) =	ssettm $0x7FFFFFFF  }
0xc3: {  	_ =	shalt  }
tec
execute0_lowered:
.L_overlay_start_1:
0x0: {  	(tag) =	ssettag $0x1  }
0x1: {  	s5 =	rddreg [dreg:$0x0];
	s1 =	srdreg.scid  }
0x2: {  	s0 =	stileid.u32;
	s2 =	rddreg [dreg:$0x1];
	s3 =	simm.s32 $0x0  }
0x3: {  	s14 =	simm.s32 $0x4F80;
	s15 =	simm.s32 $0x20;
	s16 =	simm.s32 $0x10  }
0x4: {  	s17 =	simm.s32 $0x80;
	s18 =	simm.s32 $0x9F80;
	s19 =	simm.s32 $0xA000  }
0x5: {  	s20 =	simm.s32 $0x0;
	s6 =	sand.u32 $0x1, s1;
	s1 =	rddreg [dreg:$0x2]  }
0x6: {  	s4 =	sshll.u32 s0, $0x1;
	[smem:$0x7FF] =	sst s3;
	s7 =	smul.u32 $0x14500, s0  }
0x7: {  	s9 =	smul.u32 $0xA280, s0;
	s31 =	sshll.u32 s0, $0x6;
	s4 =	sor.u32 s6, s4  }
0x8: {  	_ =	strace $0x80000047;
	s10 =	sshll.u32 s6, $0x7;
	s6 =	ssub.s32 $0x2, s6  }
0x9: {  	s4 =	smul.u32 $0x4F0, s4;
	s7 =	sor.u32 s10, s7;
	s30 =	sshrl.u32 s9, $0x3  }
0xa: {  	s11 =	sshrl.u32 s6, $0x1;
	s13 =	sadd.s32 s9, s2;
	s7 =	sshrl.u32 s7, $0x3  }
.Ltmp0:
0xb: {  	s10 =	sadd.s32 s30, s5;
	s11 =	ssub.s32 s6, s11;
	(pc) =	sbr.rel .LBB2_1-.Ltmp0, $4  }
0xc: {  	s6 =	sor.u32 $0x1C01, s31;
	s8 =	sadd.s32 s4, s5;
	s4 =	sadd.s32 $0x1400, s5  }
0xd: {  	s12 =	sadd.s32 s7, s5;
	s5 =	sadd.s32 $0x15600, s10;
	s10 =	smax.u32 s11, $0x1  }
0xe: {  	s11 =	sshrl.u32 s13, $0x3;
	s13 =	simm.s32 $0x2800;
	s7 =	sadd.s32 $0x1A00, s8  }
0xf: {  	v0 =	vimm.f32 $1.000000000e+00;
	v1 =	vimm.s32 $0xA0000;
	s8 =	sadd.s32 $0xB800, s8;
	s9 =	sadd.s32 $0x29C00, s12;
	s12 =	simm.s32 $0x1  }
.LBB2_11:
0x10: {  	s20 =	sadd.s32 $0x1, s20  }
0x11: {  	p0 =	sne.s32 s20, s10  }
.Ltmp1:
0x12: {  	_ = 	snop;
	(pc) =	sbr.rel @!p0 .LBB2_12-.Ltmp1, $4  }
0x13: {  	[hbm:s9@s15], [sflag:s6] =	dma.strided [spmem:s11@s16], $0x1450, s12, $0x10   }
0x14: {  	_ =	swait.ge [sflag:s12], $0x1450  }
0x15: {  	[sflag:s12] =	ssyncset.done $0x0  }
0x16: {  	[sflag:s12] =	ssyncadd.s32 $0xFFFFEBB0  }
.LBB2_1:
0x17: {  	[spmem:s11], [sflag:s6] =	dma.local [hbm:s5], $0x1450  }
0x18: {  	_ =	swait.ge [sflag:s12], $0x1450  }
0x19: {  	[sflag:s12] =	ssyncset.done $0x0  }
0x1a: {  	[sflag:s12] =	ssyncadd.s32 $0xFFFFEBB0  }
0x1b: {  	[tilespmem:s3], [sflag:$0x1] =	stream.linear.gather [hbm4b:s4+s3], $0x2800, $0x38;
	[tilespmem:$0x14300] =	vst v63  }
0x1c: {  	_ =	swait.ge [sflag:s12], $0x2800  }
0x1d: {  	[sflag:s12] =	ssyncset.done $0x0  }
0x1e: {  	[sflag:s12] =	ssyncadd.s32 $0xFFFFD800  }
0x1f: {  	[tilespmem:s13], [sflag:$0x1] =	stream.linear.gather [hbm4b:s7+s3], $0x2780, $0x38;
	[tilespmem:$0x14300] =	vst v63  }
0x20: {  	_ =	swait.ge [sflag:s12], $0x2780  }
0x21: {  	[sflag:s12] =	ssyncset.done $0x0  }
0x22: {  	[sflag:s12] =	ssyncadd.s32 $0xFFFFD880  }
0x23: {  	[tilespmem:s14], [sflag:$0x1] =	stream.linear.gather [hbm4b:s8+s3], $0x2780, $0x38;
	[tilespmem:$0x14300] =	vst v63  }
0x24: {  	_ =	swait.ge [sflag:s12], $0x2780  }
0x25: {  	[sflag:s12] =	ssyncset.done $0x0  }
0x26: {  	[sflag:s12] =	ssyncadd.s32 $0xFFFFD880  }
0x27: {  	[tilespmem:$0xA000] =	vst v0  }
0x28: {  	[tilespmem:$0xA010] =	vst v0  }
0x29: {  	[tilespmem:$0xA020] =	vst v0  }
0x2a: {  	[tilespmem:$0xA030] =	vst v0  }
0x2b: {  	[tilespmem:$0xA040] =	vst v0  }
0x2c: {  	[tilespmem:$0xA050] =	vst v0  }
0x2d: {  	[tilespmem:$0xA060] =	vst v0  }
0x2e: {  	s21 =	simm.s32 $0x0;
	[tilespmem:$0xA070] =	vst v0  }
.LBB2_2:
0x2f: {  	p0 =	sne.s32 s21, $0xA1C0  }
.Ltmp2:
0x30: {  	_ = 	snop;
	(pc) =	sbr.rel @p0 .LBB2_2-.Ltmp2, $3  }
0x31: {  	_ =	sdelay $0x1  }
0x32: {  	s22 =	sshra.s32 s21, $0x2  }
0x33: {  	s21 =	sadd.s32 $0x40, s21;
	[tilespmem:s22+$0x7700] =	vst v1  }
0x34: {  	s21 =	simm.s32 $0x0  }
0x35: {  	v2 =	vld [tilespmem:s21+$0x4F80];
	_ =	sdelay $0x7  }
0x36: {  	v2 =	vld.idx.msk [tilespmem:v2+s3+$0x0], $0xffff;
	_ =	sdelay $0x4  }
0x37: {  	vm0 =	vlt.s32 v2, $0x40  }
0x38: {  	v3 =	vld [tilespmem:s21+$0x2800];
	v4 =	vmpcnt.ones.xlane vm0;
	_ =	sdelay $0x1  }
0x39: {  	v4 =	vxor.u32 $0x80000000, v4  }
0x3a: {  	v2 =	vmul.u32 $0x2800, v2;
	(xrf0) =	vmax.scan.msk.u32 $0xffff, v4;
	_ =	sdelay $0x1  }
0x3b: {  	s21 =	simm.s32 $0x0;
	v2 =	vadd.s32 v3, v2  }
0x3c: {  	s22 =	simm.s32 $0x10;
	s23 =	simm.s32 $0x80;
	[tilespmem:s21+$0x7700] =	vst.msk vm0, v2  }
.LBB2_4:
0x3d: {  	p0 =	sne.s32 s23, $0x9DC0;
	v2 =	vld [tilespmem:s22+$0x4F80];
	_ =	sdelay $0x1  }
0x3e: {  	v3, _, _ =	vpop (xrf0)  }
0x3f: {  	(v2sf) =	vpush v3, $0xF;
	_ =	sdelay $0x4  }
0x40: {  	v2 =	vld.idx.msk [tilespmem:v2+s3+$0x0], $0xffff;
	_ =	sdelay $0x5  }
0x41: {  	vm0 =	vlt.s32 v2, $0x40;
	v2 =	vmul.u32 $0x2800, v2  }
0x42: {  	v4 =	vmpcnt.ones.xlane vm0;
	v3 =	vld [tilespmem:s22+$0x2800];
	_ =	sdelay $0x1  }
.Ltmp3:
0x43: {  	v4 =	vxor.u32 $0x80000000, v4;
	(pc) =	sbr.rel @p0 .LBB2_4-.Ltmp3, $4  }
0x44: {  	(xrf0) =	vmax.scan.msk.u32 $0xffff, v4;
	s22 =	spop (v2sf)  }
0x45: {  	s21 =	sadd.s32 s22, s21  }
0x46: {  	v2 =	vadd.s32 v3, v2;
	s21 =	sadd.s32 $0x80000000, s21  }
0x47: {  	s22 =	sshra.s32 s23, $0x2;
	s23 =	sadd.s32 $0x40, s23;
	[tilespmem:s21+$0x7700] =	vst.msk vm0, v2  }
0x48: {  	v2 =	vld [tilespmem:s22+$0x4F80];
	_ =	sdelay $0x7  }
0x49: {  	v2 =	vld.idx.msk [tilespmem:v2+s3+$0x0], $0xffff;
	_ =	sdelay $0x4  }
0x4a: {  	vm0 =	vlt.s32 v2, $0x40  }
0x4b: {  	v3 =	vmpcnt.ones.xlane vm0;
	_ =	sdelay $0x1  }
0x4c: {  	v3 =	vxor.u32 $0x80000000, v3  }
0x4d: {  	(xrf0) =	vmax.scan.msk.u32 $0xffff, v3;
	_ =	sdelay $0x3  }
0x4e: {  	v3, _, _ =	vpop (xrf0)  }
0x4f: {  	(v2sf) =	vpush v3, $0xF  }
0x50: {  	v3, _, _ =	vpop (xrf0)  }
0x51: {  	(v2sf) =	vpush v3, $0xF;
	_ =	sdelay $0xc  }
0x52: {  	s23 =	spop (v2sf)  }
0x53: {  	s21 =	sadd.s32 s23, s21  }
0x54: {  	s21 =	sadd.s32 $0x80000000, s21;
	s26 =	spop (v2sf)  }
0x55: {  	v3 =	vld [tilespmem:s22+$0x2800];
	s23 =	sadd.s32 s26, s21  }
0x56: {  	s28 =	sadd.s32 $0x80000000, s23  }
0x57: {  	s22 =	sadd.s32 $0x7F, s28  }
0x58: {  	v2 =	vmul.u32 $0x2800, v2;
	s29 =	sand.u32 $0x7F, s22;
	s30 =	sshra.s32 s22, $0x1F  }
.Ltmp4:
0x59: {  	p1 =	slt.s32 s22, $0x1;
	p0 =	sne.s32 s29, $0x0;
	(pc) =	sbr.rel .LBB2_6-.Ltmp4, $4  }
0x5a: {  	v2 =	vadd.s32 v3, v2;
	s23 =	sshrl.u32 s30, $0x19;
	p0 =	por !p1, !p0  }
0x5b: {  	[tilespmem:s21+$0x7700] =	vst.msk vm0, v2;
	s22 =	sadd.s32 s23, s22;
	s23 =	simm.s32 $0x1;
	p0 =	por !p0, !p0  }
0x5c: {  	[bflag:$0x0] =	sbarrier.arrive $0xFFFF;
	s31 =	sshra.s32 s22, $0x7;
	s23 =	simm.s32 @!p0 $0x0  }
0x5d: {  	s22 =	simm.s32 $0x0;
	s21 =	ssub.s32 s31, s23  }
.LBB2_9:
0x5e: {  	[sflag:s12] =	ssyncadd.s32 $0xFFFFFF80  }
.LBB2_10:
0x5f: {  	s22 =	sadd.s32 $0x1, s22  }
0x60: {  	p0 =	sne.s32 s22, $0x10  }
.Ltmp5:
0x61: {  	_ = 	snop;
	(pc) =	sbr.rel @!p0 .LBB2_11-.Ltmp5, $2  }
0x62: {  	_ =	sdelay $0x1  }
0x63: {  	[bflag:$0x0] =	sbarrier.arrive $0xFFFF;
	_ =	sdelay $0x1  }
.LBB2_6:
0x64: {  	p0 =	sne.s32 s0, s22  }
0x65: {  	p1 =	slt.s32 @!p0 s21, $0x1  }
0x66: {  	p0 =	por p0, p1  }
.Ltmp6:
0x67: {  	_ = 	snop;
	(pc) =	sbr.rel @p0 .LBB2_10-.Ltmp6, $2  }
0x68: {  	_ =	sdelay $0x2  }
0x69: {  	s23 =	simm.s32 $0x7740  }
0x6a: {  	v2 =	vld [tilespmem:s23+$0xFFFFFFC0];
	_ =	sdelay $0x4  }
0x6b: {  	[tilespmem:$0x9F80] =	vst v2  }
0x6c: {  	v2 =	vld [tilespmem:s23+$0xFFFFFFD0];
	_ =	sdelay $0x4  }
0x6d: {  	[tilespmem:$0x9F90] =	vst v2  }
0x6e: {  	v2 =	vld [tilespmem:s23+$0xFFFFFFE0];
	_ =	sdelay $0x4  }
0x6f: {  	[tilespmem:$0x9FA0] =	vst v2  }
0x70: {  	v2 =	vld [tilespmem:s23+$0xFFFFFFF0];
	_ =	sdelay $0x4  }
0x71: {  	[tilespmem:$0x9FB0] =	vst v2  }
0x72: {  	v2 =	vld [tilespmem:s23+$0x0];
	_ =	sdelay $0x4  }
0x73: {  	[tilespmem:$0x9FC0] =	vst v2  }
0x74: {  	v2 =	vld [tilespmem:s23+$0x10];
	_ =	sdelay $0x4  }
0x75: {  	[tilespmem:$0x9FD0] =	vst v2  }
0x76: {  	v2 =	vld [tilespmem:s23+$0x20];
	_ =	sdelay $0x4  }
0x77: {  	[tilespmem:$0x9FE0] =	vst v2  }
0x78: {  	v2 =	vld [tilespmem:s23+$0x30];
	_ =	sdelay $0x2  }
0x79: {  	p0 =	sne.s32 s21, $0x1  }
.Ltmp7:
0x7a: {  	_ = 	snop;
	(pc) =	sbr.rel @!p0 .LBB2_9-.Ltmp7, $4  }
0x7b: {  	[tilespmem:$0x9FF0] =	vst v2  }
0x7c: {  	[spmem:s2] =	stream.indirect.scatter.add.f32 [tilespmem:s19], [sflag:$0x1], $0x1, s18, s17, $0xb8;
	[tilespmem:$0x14300] =	vst v63  }
0x7d: {  	_ =	swait.ge [sflag:s12], $0x80  }
0x7e: {  	s24 =	sadd.s32 $0xFFFFFFFF, s21;
	[sflag:s12] =	ssyncset.done $0x0  }
.LBB2_8:
0x7f: {  	p0 =	sne.s32 s24, $0x1;
	[sflag:s12] =	ssyncadd.s32 $0xFFFFFF80;
	s23 =	sadd.s32 $0x80, s23  }
0x80: {  	s24 =	sadd.s32 $0xFFFFFFFF, s24;
	v2 =	vld [tilespmem:s23+$0xFFFFFFC0];
	_ =	sdelay $0x4  }
0x81: {  	[tilespmem:$0x9F80] =	vst v2  }
0x82: {  	v2 =	vld [tilespmem:s23+$0xFFFFFFD0];
	_ =	sdelay $0x4  }
0x83: {  	[tilespmem:$0x9F90] =	vst v2  }
0x84: {  	v2 =	vld [tilespmem:s23+$0xFFFFFFE0];
	_ =	sdelay $0x4  }
0x85: {  	[tilespmem:$0x9FA0] =	vst v2  }
0x86: {  	v2 =	vld [tilespmem:s23+$0xFFFFFFF0];
	_ =	sdelay $0x4  }
0x87: {  	[tilespmem:$0x9FB0] =	vst v2  }
0x88: {  	v2 =	vld [tilespmem:s23+$0x0];
	_ =	sdelay $0x4  }
0x89: {  	[tilespmem:$0x9FC0] =	vst v2  }
0x8a: {  	v2 =	vld [tilespmem:s23+$0x10];
	_ =	sdelay $0x4  }
0x8b: {  	[tilespmem:$0x9FD0] =	vst v2  }
0x8c: {  	v2 =	vld [tilespmem:s23+$0x20];
	_ =	sdelay $0x4  }
0x8d: {  	[tilespmem:$0x9FE0] =	vst v2  }
0x8e: {  	v2 =	vld [tilespmem:s23+$0x30];
	_ =	sdelay $0x3  }
.Ltmp8:
0x8f: {  	(pc) =	sbr.rel @p0 .LBB2_8-.Ltmp8, $4  }
0x90: {  	[tilespmem:$0x9FF0] =	vst v2  }
0x91: {  	[spmem:s2] =	stream.indirect.scatter.add.f32 [tilespmem:s19], [sflag:$0x1], $0x1, s18, s17, $0xb8;
	[tilespmem:$0x14300] =	vst v63  }
0x92: {  	_ =	swait.ge [sflag:s12], $0x80  }
0x93: {  	[sflag:s12] =	ssyncset.done $0x0  }
.Ltmp9:
0x94: {  	_ = 	snop;
	(pc) =	sbr.rel .LBB2_9-.Ltmp9, $1  }
0x95: {  	_ =	sdelay $0x3  }
.LBB2_12:
0x96: {  	_ =	sfence.sel $0x180000  }
0x97: {  	[bflag:$0x0] =	sbarrier.arrive $0xFFFF  }
0x98: {  	p0 =	sne.s32 s0, $0x0;
	_ =	strace $0x90000047  }
0x99: {  	s0 =	sadd.s32 @!p0 $0x100000, s1;
	[bflag:$0x2] =	sbarrier.arrive $0xFFFF  }
0x9a: {  	[sflag:s0] =	ssyncadd.tile.s32 @!p0 $0x1;
	_ =	shalt  }
.Lfunc_end2:
_tile_overlayer_lowered:
.L_overlay_start_2:
0x9b: {  	(tag) =	ssettag $0x2  }
0x9c: {  	s0 =	rddreg [dreg:$0x0];
	s2 =	stileid.u32  }
0x9d: {  	s1 =	rddreg [dreg:$0x1];
	p0 =	sne.s32 s2, $0x0  }
0x9e: {  	s3 =	rddreg [dreg:$0x2];
	[bflag:$0x3] =	sbarrier.arrive $0xFFFF;
	s2 =	simm.s32 @!p0 $0x1C01  }
0x9f: {  	[timem:s3], [sflag:s2] =	dma.local @!p0 [hbm:s0], s1  }
0xa0: {  	s0 =	simm.s32 @!p0 $0x1  }
0xa1: {  	_ =	swait.ge @!p0 [sflag:s0], s1  }
0xa2: {  	s1 =	ssub.s32 @!p0 $0x0, s1;
	[sflag:s0] =	ssyncset.done @!p0 $0x0  }
0xa3: {  	[sflag:s0] =	ssyncadd.s32 @!p0 s1  }
0xa4: {  	[bflag:$0x3] =	sbarrier.arrive $0xFFFF  }
0xa5: {  	_ =	shalt  }

</sc_bundles>
